<compile_context>
chip_gen: v7x
topology: tpu7x:2x2x1
jax: 0.10.2.dev20260603
libtpu: 0.0.44.dev20260713+nightly
codegen_flags: <defaults>
</compile_context>

<pallas_src>
import functools

import jax
import jax.numpy as jnp
from jax import lax
from jax.experimental import pallas as pl
from jax.experimental.pallas import tpu as pltpu
from jax.experimental.pallas import tpu_sc as plsc

_NS, _L = 16, 16


def _count_kernel(at_ref, ann_ref, loss_ref, out_ref, cnt_ref, *,
                  nb, n_real, batch):
    j = pl.program_id(0)
    b = pl.program_id(1)

    third = jnp.bfloat16(1.0 / 3.0)
    gx1 = ann_ref[0, :, 0:1]
    gy1 = ann_ref[0, :, 1:2]
    gx2 = ann_ref[0, :, 2:3]
    gy2 = ann_ref[0, :, 3:4]
    garea_d3 = (gx2 - gx1) * (gy2 - gy1) * third

    ax1 = at_ref[0:1, :]
    ay1 = at_ref[1:2, :]
    ax2 = at_ref[2:3, :]
    ay2 = at_ref[3:4, :]
    aarea_d3 = (ax2 - ax1) * (ay2 - ay1) * third

    iw = jnp.maximum(jnp.minimum(ax2, gx2) - jnp.maximum(ax1, gx1),
                     jnp.bfloat16(0.0))
    ih = jnp.minimum(ay2, gy2) - jnp.maximum(ay1, gy1)
    t = iw * ih - garea_d3
    tmax = jnp.max(t, axis=0, keepdims=True)
    cnt_b = jnp.sum((tmax >= aarea_d3).astype(jnp.float32)).reshape(1, 1)

    @pl.when(b == 0)
    def _init_cnt():
        cnt_ref[:, :] = cnt_b

    @pl.when(b > 0)
    def _acc_cnt():
        cnt_ref[:, :] = cnt_ref[:, :] + cnt_b

    @pl.when(jnp.logical_and(j == 0, b == 0))
    def _init_out():
        out_ref[:, :] = jnp.zeros((1, 1), jnp.float32)

    @pl.when(b == nb - 1)
    def _finish_image():
        c = cnt_ref[:, :]
        l0 = loss_ref[pl.ds(j, 1), 0:1]
        l1 = loss_ref[pl.ds(j + batch, 1), 0:1]
        nf = jnp.float32(n_real)
        img = ((nf - c) * l0 + c * l1) / (4.0 * nf)
        img = jnp.where(c > 0.0, img, 0.0)
        out_ref[:, :] = out_ref[:, :] + img / jnp.float32(batch)


def _ln(x):
    bits = lax.bitcast_convert_type(x, jnp.int32)
    e = ((bits >> 23) & 0xFF) - 127
    m = lax.bitcast_convert_type((bits & 0x7FFFFF) | 0x3F800000, jnp.float32)
    t = (m - 1.0) / (m + 1.0)
    s = t * t
    p = 1.0 + s * (1.0 / 3.0 + s * (1.0 / 5.0 + s * (1.0 / 7.0 + s * (1.0 / 9.0))))
    return 0.6931471805599453 * e.astype(jnp.float32) + 2.0 * t * p


def _sc_loss_body(ann_hbm, a01_hbm, reg_hbm, out_hbm, ann_v, a_v, reg_v, stage_v):
    cid = lax.axis_index("c")
    sid = lax.axis_index("s")
    wid = sid + cid

    @pl.when(wid < 16)
    def _worker():
        j = wid % 8
        k = wid // 8
        pltpu.sync_copy(ann_hbm.at[pl.ds(j, 1)], ann_v)
        pltpu.sync_copy(a01_hbm.at[pl.ds(k, 1)], a_v)
        pltpu.sync_copy(reg_hbm.at[pl.ds(j, 1), pl.ds(k, 1)], reg_v)

        bx1 = a_v[0, 0, :]
        by1 = a_v[0, 1, :]
        bx2 = a_v[0, 2, :]
        by2 = a_v[0, 3, :]
        barea = (bx2 - bx1) * (by2 - by1)

        ious = []
        for i in range(4):
            sl = pl.ds(i * _L, _L)
            gx1 = ann_v[0, 0, sl]
            gy1 = ann_v[0, 1, sl]
            gx2 = ann_v[0, 2, sl]
            gy2 = ann_v[0, 3, sl]
            lab = ann_v[0, 4, sl]
            garea = (gx2 - gx1) * (gy2 - gy1)
            iw = jnp.maximum(jnp.minimum(bx2, gx2) - jnp.maximum(bx1, gx1), 0.0)
            ih = jnp.maximum(jnp.minimum(by2, gy2) - jnp.maximum(by1, gy1), 0.0)
            inter = iw * ih
            ua = jnp.maximum(barea + garea - inter, 1e-8)
            iou = inter / ua
            ious.append(jnp.where(lab != -1.0, iou, -1.0))

        iota = lax.iota(jnp.int32, _L)

        dnums = lax.GatherDimensionNumbers(
            offset_dims=(), collapsed_slice_dims=(0,), start_index_map=(0,))

        def _alllanes(v, op):
            for d in (8, 4, 2, 1):
                perm = lax.gather(
                    v, (iota ^ d)[:, None], dnums, (1,),
                    mode=lax.GatherScatterMode.PROMISE_IN_BOUNDS)
                v = op(v, perm)
            return v

        vmax = jnp.maximum(jnp.maximum(ious[0], ious[1]),
                           jnp.maximum(ious[2], ious[3]))
        mx = _alllanes(vmax, jnp.maximum)
        cand = jnp.full((_L,), 64, jnp.int32)
        for i in range(4):
            cand = jnp.minimum(
                cand, jnp.where(ious[i] == mx, iota + i * _L, 64))
        idxv = _alllanes(cand, jnp.minimum)

        masks = [idxv == (iota + i * _L) for i in range(4)]

        def fold(row):
            acc = jnp.zeros((_L,), jnp.float32)
            for i in range(4):
                acc = acc + jnp.where(masks[i],
                                      ann_v[0, row, pl.ds(i * _L, _L)], 0.0)
            return acc

        sx1 = fold(0)
        sy1 = fold(1)
        sx2 = fold(2)
        sy2 = fold(3)
        lane_hot = ((masks[0] | masks[1]) | (masks[2] | masks[3]))

        gw = sx2 - sx1
        gh = sy2 - sy1
        gcx = sx1 + 0.5 * gw
        gcy = sy1 + 0.5 * gh
        gw = jnp.maximum(gw, 1.0)
        gh = jnp.maximum(gh, 1.0)

        aw = bx2 - bx1
        ah = by2 - by1
        acx = bx1 + 0.5 * aw
        acy = by1 + 0.5 * ah

        tdx = ((gcx - acx) / aw) / 0.1
        tdy = ((gcy - acy) / ah) / 0.1
        tdw = _ln(gw / aw) / 0.2
        tdh = _ln(gh / ah) / 0.2

        d0 = jnp.abs(tdx - reg_v[0, 0, 0, :])
        d1 = jnp.abs(tdy - reg_v[0, 0, 1, :])
        d2 = jnp.abs(tdw - reg_v[0, 0, 2, :])
        d3 = jnp.abs(tdh - reg_v[0, 0, 3, :])

        def smooth(d):
            return jnp.where(d <= 1.0 / 9.0, 0.5 * 9.0 * d * d, d - 0.5 / 9.0)

        lsum = smooth(d0) + smooth(d1) + smooth(d2) + smooth(d3)
        lsum = _alllanes(jnp.where(lane_hot, lsum, 0.0), jnp.add)
        stage_v[0, :] = lsum
        pltpu.sync_copy(stage_v, out_hbm.at[pl.ds(wid, 1)])


def kernel(regressions, anchors, annotations):
    batch, n, _ = regressions.shape
    m = annotations.shape[1]

    blk = 51200
    n_pad = ((n + blk - 1) // blk) * blk
    nb = n_pad // blk

    anchor = anchors[0]
    anchor_t = jnp.pad(anchor, ((0, n_pad - n), (0, 0))).T

    ann_sc = annotations.transpose(0, 2, 1)
    a01 = jnp.broadcast_to(anchor[:2, :, None], (2, 4, _L))
    reg01 = jnp.broadcast_to(
        regressions[:, :2, :, None], (batch, 2, 4, _L))

    mesh = plsc.VectorSubcoreMesh(
        core_axis_name="c", subcore_axis_name="s",
        num_cores=1, num_subcores=_NS)
    sc_loss = functools.partial(
        pl.kernel,
        out_type=jax.ShapeDtypeStruct((16, _L), jnp.float32),
        mesh=mesh,
        scratch_types=[
            pltpu.VMEM((1, 5, 64), jnp.float32),
            pltpu.VMEM((1, 4, _L), jnp.float32),
            pltpu.VMEM((1, 1, 4, _L), jnp.float32),
            pltpu.VMEM((1, _L), jnp.float32),
        ],
    )(_sc_loss_body)
    losses = sc_loss(ann_sc, a01, reg01)

    out = pl.pallas_call(
        functools.partial(_count_kernel, nb=nb, n_real=n, batch=batch),
        grid=(batch, nb),
        in_specs=[
            pl.BlockSpec((4, blk), lambda j, b: (0, b)),
            pl.BlockSpec((1, m, 5), lambda j, b: (j, 0, 0)),
            pl.BlockSpec((2 * batch, _L), lambda j, b: (0, 0)),
        ],
        out_specs=pl.BlockSpec((1, 1), lambda j, b: (0, 0)),
        out_shape=jax.ShapeDtypeStruct((1, 1), jnp.float32),
        scratch_shapes=[pltpu.VMEM((1, 1), jnp.float32)],
    )(anchor_t.astype(jnp.bfloat16), annotations.astype(jnp.bfloat16), losses)
    return out.reshape(1)

# --- scband reference (transcript-rebuilt; emitter-appended) ---
"""Pipeline reference for scband-regression-loss-68341519614016 (READ-ONLY COPY).

The authoritative reference and input builder live on the scoring server;
editing this copy changes nothing except your own understanding.
"""

import jax, jax.numpy as jnp
import numpy as np


def calc_iou(a, b):
    area = (b[:, 2] - b[:, 0]) * (b[:, 3] - b[:, 1])
    iw = jnp.minimum(a[:, 2][:, None], b[:, 2]) - jnp.maximum(a[:, 0][:, None], b[:, 0])
    ih = jnp.minimum(a[:, 3][:, None], b[:, 3]) - jnp.maximum(a[:, 1][:, None], b[:, 1])
    iw = jnp.clip(iw, 0.0, None)
    ih = jnp.clip(ih, 0.0, None)
    ua = ((a[:, 2] - a[:, 0]) * (a[:, 3] - a[:, 1]))[:, None] + area - iw * ih
    ua = jnp.clip(ua, 1e-08, None)
    intersection = iw * ih
    return intersection / ua


def setup_inputs(seed: int = 0) -> dict:
    key = jax.random.key(seed)
    k1, k2, k3, k4, k5, k6 = jax.random.split(key, 6)
    B, N, M = 8, 50000, 64
    regressions = jax.random.normal(k1, (B, N, 4), dtype=jnp.float32)
    # anchors: valid boxes (x1,y1,x2,y2) over a 512x512 image
    acxy = jax.random.uniform(k2, (N, 2), minval=0.0, maxval=512.0)
    awh = jax.random.uniform(k3, (N, 2), minval=20.0, maxval=120.0)
    anchor_boxes = jnp.concatenate([acxy - 0.5 * awh, acxy + 0.5 * awh], axis=1)
    anchors = anchor_boxes[None].astype(jnp.float32)
    gcxy = jax.random.uniform(k4, (B, M, 2), minval=50.0, maxval=460.0)
    gwh = jax.random.uniform(k5, (B, M, 2), minval=40.0, maxval=200.0)
    gt = jnp.concatenate([gcxy - 0.5 * gwh, gcxy + 0.5 * gwh], axis=2)
    labels = jax.random.randint(k6, (B, M, 1), 0, 80).astype(jnp.float32)
    annotations = jnp.concatenate([gt, labels], axis=2).astype(jnp.float32)
    return {"regressions": regressions, "anchors": anchors, "annotations": annotations}


def reference(regressions, anchors, annotations):
    batch_size = regressions.shape[0]
    regression_losses = []
    anchor = anchors[0, :, :]
    anchor_widths = anchor[:, 2] - anchor[:, 0]
    anchor_heights = anchor[:, 3] - anchor[:, 1]
    anchor_ctr_x = anchor[:, 0] + 0.5 * anchor_widths
    anchor_ctr_y = anchor[:, 1] + 0.5 * anchor_heights
    for j in range(batch_size):
        regression = regressions[j, :, :]
        bbox_annotation = annotations[j, :, :]
        valid = bbox_annotation[:, 4] != -1
        if bbox_annotation.shape[0] == 0:
            regression_losses.append(jnp.array(0.0, dtype=jnp.float32))
            continue
        IoU = calc_iou(anchors[0, :, :], bbox_annotation[:, :4])
        IoU = jnp.where(valid[None, :], IoU, -1.0)
        IoU_max = jnp.max(IoU, axis=1)
        IoU_argmax = jnp.argmax(IoU, axis=1)
        # Faithful to the original: ge().float().long() yields 0/1 INTEGER indices
        # that are used to GATHER rows (not boolean-mask).
        positive_indices = (IoU_max >= 0.5).astype(jnp.int32)
        assigned_annotations = jnp.take(bbox_annotation, IoU_argmax, axis=0)
        num_positive = positive_indices.sum()
        assigned_annotations = jnp.take(assigned_annotations, positive_indices, axis=0)
        anchor_widths_pi = jnp.take(anchor_widths, positive_indices)
        anchor_heights_pi = jnp.take(anchor_heights, positive_indices)
        anchor_ctr_x_pi = jnp.take(anchor_ctr_x, positive_indices)
        anchor_ctr_y_pi = jnp.take(anchor_ctr_y, positive_indices)
        gt_widths = assigned_annotations[:, 2] - assigned_annotations[:, 0]
        gt_heights = assigned_annotations[:, 3] - assigned_annotations[:, 1]
        gt_ctr_x = assigned_annotations[:, 0] + 0.5 * gt_widths
        gt_ctr_y = assigned_annotations[:, 1] + 0.5 * gt_heights
        gt_widths = jnp.clip(gt_widths, 1.0, None)
        gt_heights = jnp.clip(gt_heights, 1.0, None)
        targets_dx = (gt_ctr_x - anchor_ctr_x_pi) / anchor_widths_pi
        targets_dy = (gt_ctr_y - anchor_ctr_y_pi) / anchor_heights_pi
        targets_dw = jnp.log(gt_widths / anchor_widths_pi)
        targets_dh = jnp.log(gt_heights / anchor_heights_pi)
        targets = jnp.stack((targets_dx, targets_dy, targets_dw, targets_dh))
        targets = targets.T
        targets = targets / jnp.array([[0.1, 0.1, 0.2, 0.2]], dtype=jnp.float32)
        regression_pi = jnp.take(regression, positive_indices, axis=0)
        regression_diff = jnp.abs(targets - regression_pi)
        regression_loss = jnp.where(regression_diff <= 1.0 / 9.0, 0.5 * 9.0 * jnp.power(regression_diff, 2), regression_diff - 0.5 / 9.0)
        regression_losses.append(jnp.where(num_positive > 0, regression_loss.mean(), jnp.array(0.0, dtype=jnp.float32)))
    return jnp.mean(jnp.stack(regression_losses), axis=0, keepdims=True)

if __name__ == "__main__":
    import jax
    _d = setup_inputs()
    print(jax.jit(kernel)(*tuple(_d.values())))

</pallas_src>

<mosaic_0001>
#map = affine_map<(d0, d1) -> (0, 0, 0)>
#map1 = affine_map<(d0, d1) -> (0, 0, 0, 0)>
#map2 = affine_map<(d0, d1) -> (0, 0)>
module attributes {stable_mosaic.version = 14 : i64} {
  func.func @_sc_loss_body(%arg0: i32, %arg1: i32, %arg2: memref<8x5x64xf32, #tpu.memory_space<hbm>>, %arg3: memref<2x4x16xf32, #tpu.memory_space<hbm>>, %arg4: memref<8x2x4x16xf32, #tpu.memory_space<hbm>>, %arg5: memref<16x16xf32, #tpu.memory_space<hbm>>, %arg6: memref<1x5x64xf32, #tpu.memory_space<vmem>>, %arg7: memref<1x4x16xf32, #tpu.memory_space<vmem>>, %arg8: memref<1x1x4x16xf32, #tpu.memory_space<vmem>>, %arg9: memref<1x16xf32, #tpu.memory_space<vmem>>) attributes {dimension_semantics = [#tpu.dimension_semantics<core_parallel>, #tpu.dimension_semantics<subcore_parallel>], iteration_bounds = array<i64: 1, 16>, scalar_prefetch = 0 : i64, scratch_operands = 4 : i64, tpu.core_type = #tpu.core_type<sc_vector_subcore>, window_params = [{transform_indices = #map}, {transform_indices = #map}, {transform_indices = #map1}, {transform_indices = #map2}]} {
    %add3A = arith.addi %arg1, %arg0 : i32
    %lt3A = arith.constant 16 : i32
    %lt3A_0 = arith.cmpi slt, %add3A, %lt3A : i32
    %convert_element_type3A = arith.extui %lt3A_0 : i1 to i32
    %cond3A = arith.constant 0 : i32
    %cond3A_1 = arith.cmpi ne, %convert_element_type3A, %cond3A : i32
    scf.if %cond3A_1 {
      %jit3A = arith.constant 8 : i32
      %eq3A = arith.constant 0 : i32
      %eq3A_2 = arith.cmpi eq, %jit3A, %eq3A : i32
      %jit3A_3 = arith.constant 1 : i32
      %select_n3A = arith.select %eq3A_2, %jit3A_3, %jit3A : i32
      %rem3A = arith.remsi %add3A, %select_n3A : i32
      %ne3A = arith.constant 0 : i32
      %ne3A_4 = arith.cmpi ne, %rem3A, %ne3A : i32
      %lt3A_5 = arith.constant 0 : i32
      %lt3A_6 = arith.cmpi slt, %rem3A, %lt3A_5 : i32
      %lt3A_7 = arith.constant 0 : i32
      %lt3A_8 = arith.cmpi slt, %select_n3A, %lt3A_7 : i32
      %ne3A_9 = arith.xori %lt3A_6, %lt3A_8 : i1
      %and3A = arith.andi %ne3A_9, %ne3A_4 : i1
      %add3A_10 = arith.addi %rem3A, %select_n3A : i32
      %select_n3A_11 = arith.select %and3A, %add3A_10, %rem3A : i32
      %jit3A_12 = arith.constant 8 : i32
      %div3A = arith.divsi %add3A, %jit3A_12 : i32
      %sign3A = arith.constant 0 : i32
      %sign3A_13 = arith.cmpi sgt, %add3A, %sign3A : i32
      %sign3A_14 = arith.extui %sign3A_13 : i1 to i32
      %sign3A_15 = arith.constant 0 : i32
      %sign3A_16 = arith.cmpi slt, %add3A, %sign3A_15 : i32
      %sign3A_17 = arith.extui %sign3A_16 : i1 to i32
      %sign3A_18 = arith.subi %sign3A_14, %sign3A_17 : i32
      %sign3A_19 = arith.constant 0 : i32
      %sign3A_20 = arith.cmpi sgt, %jit3A_12, %sign3A_19 : i32
      %sign3A_21 = arith.extui %sign3A_20 : i1 to i32
      %sign3A_22 = arith.constant 0 : i32
      %sign3A_23 = arith.cmpi slt, %jit3A_12, %sign3A_22 : i32
      %sign3A_24 = arith.extui %sign3A_23 : i1 to i32
      %sign3A_25 = arith.subi %sign3A_21, %sign3A_24 : i32
      %ne3A_26 = arith.cmpi ne, %sign3A_18, %sign3A_25 : i32
      %rem3A_27 = arith.remsi %add3A, %jit3A_12 : i32
      %ne3A_28 = arith.constant 0 : i32
      %ne3A_29 = arith.cmpi ne, %rem3A_27, %ne3A_28 : i32
      %and3A_30 = arith.andi %ne3A_26, %ne3A_29 : i1
      %sub3A = arith.constant 1 : i32
      %sub3A_31 = arith.subi %div3A, %sub3A : i32
      %select_n3A_32 = arith.select %and3A_30, %sub3A_31, %div3A : i32
      "tpu.region"() ({
        %run_scoped3A = tpu.sem_alloc : memref<!tpu.dma_semaphore, #tpu.memory_space<semaphore_mem>>
        %dma_start3A = arith.constant 0 : i32
        %dma_start3A_875 = arith.constant 0 : i32
        %dma_start3A_876 = tpu.memref_slice %arg2[%select_n3A_11, %dma_start3A, %dma_start3A_875] : memref<8x5x64xf32, #tpu.memory_space<hbm>> -> memref<1x5x64xf32, #tpu.memory_space<hbm>>
        %dma_start3A_877 = arith.constant 0 : i32
        %dma_start3A_878 = arith.constant 0 : i32
        %dma_start3A_879 = tpu.memref_slice %arg2[%select_n3A_11, %dma_start3A_877, %dma_start3A_878] : memref<8x5x64xf32, #tpu.memory_space<hbm>> -> memref<1x5x64xf32, #tpu.memory_space<hbm>>
        tpu.enqueue_dma source(%dma_start3A_879 : memref<1x5x64xf32, #tpu.memory_space<hbm>>) target(%arg6 : memref<1x5x64xf32, #tpu.memory_space<vmem>>) target_semaphore(%run_scoped3A : memref<!tpu.dma_semaphore, #tpu.memory_space<semaphore_mem>>)
        %dma_wait3A = arith.constant 0 : i32
        %dma_wait3A_880 = arith.constant 0 : i32
        %dma_wait3A_881 = tpu.memref_slice %arg2[%select_n3A_11, %dma_wait3A, %dma_wait3A_880] : memref<8x5x64xf32, #tpu.memory_space<hbm>> -> memref<1x5x64xf32, #tpu.memory_space<hbm>>
        %dma_wait3A_882 = arith.constant 0 : i32
        %dma_wait3A_883 = arith.constant 0 : i32
        %dma_wait3A_884 = tpu.memref_slice %arg2[%select_n3A_11, %dma_wait3A_882, %dma_wait3A_883] : memref<8x5x64xf32, #tpu.memory_space<hbm>> -> memref<1x5x64xf32, #tpu.memory_space<hbm>>
        tpu.wait_dma2 semaphore(%run_scoped3A : memref<!tpu.dma_semaphore, #tpu.memory_space<semaphore_mem>>) src(%dma_wait3A_884 : memref<1x5x64xf32, #tpu.memory_space<hbm>>) dst(%arg6 : memref<1x5x64xf32, #tpu.memory_space<vmem>>)
        tpu.yield
      }) : () -> ()
      "tpu.region"() ({
        %run_scoped3A = tpu.sem_alloc : memref<!tpu.dma_semaphore, #tpu.memory_space<semaphore_mem>>
        %dma_start3A = arith.constant 0 : i32
        %dma_start3A_875 = arith.constant 0 : i32
        %dma_start3A_876 = tpu.memref_slice %arg3[%select_n3A_32, %dma_start3A, %dma_start3A_875] : memref<2x4x16xf32, #tpu.memory_space<hbm>> -> memref<1x4x16xf32, #tpu.memory_space<hbm>>
        %dma_start3A_877 = arith.constant 0 : i32
        %dma_start3A_878 = arith.constant 0 : i32
        %dma_start3A_879 = tpu.memref_slice %arg3[%select_n3A_32, %dma_start3A_877, %dma_start3A_878] : memref<2x4x16xf32, #tpu.memory_space<hbm>> -> memref<1x4x16xf32, #tpu.memory_space<hbm>>
        tpu.enqueue_dma source(%dma_start3A_879 : memref<1x4x16xf32, #tpu.memory_space<hbm>>) target(%arg7 : memref<1x4x16xf32, #tpu.memory_space<vmem>>) target_semaphore(%run_scoped3A : memref<!tpu.dma_semaphore, #tpu.memory_space<semaphore_mem>>)
        %dma_wait3A = arith.constant 0 : i32
        %dma_wait3A_880 = arith.constant 0 : i32
        %dma_wait3A_881 = tpu.memref_slice %arg3[%select_n3A_32, %dma_wait3A, %dma_wait3A_880] : memref<2x4x16xf32, #tpu.memory_space<hbm>> -> memref<1x4x16xf32, #tpu.memory_space<hbm>>
        %dma_wait3A_882 = arith.constant 0 : i32
        %dma_wait3A_883 = arith.constant 0 : i32
        %dma_wait3A_884 = tpu.memref_slice %arg3[%select_n3A_32, %dma_wait3A_882, %dma_wait3A_883] : memref<2x4x16xf32, #tpu.memory_space<hbm>> -> memref<1x4x16xf32, #tpu.memory_space<hbm>>
        tpu.wait_dma2 semaphore(%run_scoped3A : memref<!tpu.dma_semaphore, #tpu.memory_space<semaphore_mem>>) src(%dma_wait3A_884 : memref<1x4x16xf32, #tpu.memory_space<hbm>>) dst(%arg7 : memref<1x4x16xf32, #tpu.memory_space<vmem>>)
        tpu.yield
      }) : () -> ()
      "tpu.region"() ({
        %run_scoped3A = tpu.sem_alloc : memref<!tpu.dma_semaphore, #tpu.memory_space<semaphore_mem>>
        %dma_start3A = arith.constant 0 : i32
        %dma_start3A_875 = arith.constant 0 : i32
        %dma_start3A_876 = tpu.memref_slice %arg4[%select_n3A_11, %select_n3A_32, %dma_start3A, %dma_start3A_875] : memref<8x2x4x16xf32, #tpu.memory_space<hbm>> -> memref<1x1x4x16xf32, #tpu.memory_space<hbm>>
        %dma_start3A_877 = arith.constant 0 : i32
        %dma_start3A_878 = arith.constant 0 : i32
        %dma_start3A_879 = tpu.memref_slice %arg4[%select_n3A_11, %select_n3A_32, %dma_start3A_877, %dma_start3A_878] : memref<8x2x4x16xf32, #tpu.memory_space<hbm>> -> memref<1x1x4x16xf32, #tpu.memory_space<hbm>>
        tpu.enqueue_dma source(%dma_start3A_879 : memref<1x1x4x16xf32, #tpu.memory_space<hbm>>) target(%arg8 : memref<1x1x4x16xf32, #tpu.memory_space<vmem>>) target_semaphore(%run_scoped3A : memref<!tpu.dma_semaphore, #tpu.memory_space<semaphore_mem>>)
        %dma_wait3A = arith.constant 0 : i32
        %dma_wait3A_880 = arith.constant 0 : i32
        %dma_wait3A_881 = tpu.memref_slice %arg4[%select_n3A_11, %select_n3A_32, %dma_wait3A, %dma_wait3A_880] : memref<8x2x4x16xf32, #tpu.memory_space<hbm>> -> memref<1x1x4x16xf32, #tpu.memory_space<hbm>>
        %dma_wait3A_882 = arith.constant 0 : i32
        %dma_wait3A_883 = arith.constant 0 : i32
        %dma_wait3A_884 = tpu.memref_slice %arg4[%select_n3A_11, %select_n3A_32, %dma_wait3A_882, %dma_wait3A_883] : memref<8x2x4x16xf32, #tpu.memory_space<hbm>> -> memref<1x1x4x16xf32, #tpu.memory_space<hbm>>
        tpu.wait_dma2 semaphore(%run_scoped3A : memref<!tpu.dma_semaphore, #tpu.memory_space<semaphore_mem>>) src(%dma_wait3A_884 : memref<1x1x4x16xf32, #tpu.memory_space<hbm>>) dst(%arg8 : memref<1x1x4x16xf32, #tpu.memory_space<vmem>>)
        tpu.yield
      }) : () -> ()
      %get3A = arith.constant 0 : i32
      %get3A_33 = arith.constant 0 : i32
      %get3A_34 = arith.index_cast %get3A : i32 to index
      %get3A_35 = arith.index_cast %get3A_33 : i32 to index
      %get3A_36 = arith.constant 0 : index
      %get3A_37 = tpu.vector_load %arg7[%get3A_34, %get3A_35, %get3A_36] {strides = array<i32>} : memref<1x4x16xf32, #tpu.memory_space<vmem>>, vector<1x1x16xf32>,
      %get3A_38 = vector.shape_cast %get3A_37 : vector<1x1x16xf32> to vector<16xf32>
      %get3A_39 = arith.constant 0 : i32
      %get3A_40 = arith.constant 1 : i32
      %get3A_41 = arith.index_cast %get3A_39 : i32 to index
      %get3A_42 = arith.index_cast %get3A_40 : i32 to index
      %get3A_43 = arith.constant 0 : index
      %get3A_44 = tpu.vector_load %arg7[%get3A_41, %get3A_42, %get3A_43] {strides = array<i32>} : memref<1x4x16xf32, #tpu.memory_space<vmem>>, vector<1x1x16xf32>,
      %get3A_45 = vector.shape_cast %get3A_44 : vector<1x1x16xf32> to vector<16xf32>
      %get3A_46 = arith.constant 0 : i32
      %get3A_47 = arith.constant 2 : i32
      %get3A_48 = arith.index_cast %get3A_46 : i32 to index
      %get3A_49 = arith.index_cast %get3A_47 : i32 to index
      %get3A_50 = arith.constant 0 : index
      %get3A_51 = tpu.vector_load %arg7[%get3A_48, %get3A_49, %get3A_50] {strides = array<i32>} : memref<1x4x16xf32, #tpu.memory_space<vmem>>, vector<1x1x16xf32>,
      %get3A_52 = vector.shape_cast %get3A_51 : vector<1x1x16xf32> to vector<16xf32>
      %get3A_53 = arith.constant 0 : i32
      %get3A_54 = arith.constant 3 : i32
      %get3A_55 = arith.index_cast %get3A_53 : i32 to index
      %get3A_56 = arith.index_cast %get3A_54 : i32 to index
      %get3A_57 = arith.constant 0 : index
      %get3A_58 = tpu.vector_load %arg7[%get3A_55, %get3A_56, %get3A_57] {strides = array<i32>} : memref<1x4x16xf32, #tpu.memory_space<vmem>>, vector<1x1x16xf32>,
      %get3A_59 = vector.shape_cast %get3A_58 : vector<1x1x16xf32> to vector<16xf32>
      %sub3A_60 = arith.subf %get3A_52, %get3A_38 : vector<16xf32>
      %sub3A_61 = arith.subf %get3A_59, %get3A_45 : vector<16xf32>
      %mul3A = arith.mulf %sub3A_60, %sub3A_61 : vector<16xf32>
      %get3A_62 = arith.constant 0 : i32
      %get3A_63 = arith.constant 0 : i32
      %get3A_64 = arith.index_cast %get3A_62 : i32 to index
      %get3A_65 = arith.index_cast %get3A_63 : i32 to index
      %get3A_66 = arith.constant 0 : index
      %get3A_67 = tpu.vector_load %arg6[%get3A_64, %get3A_65, %get3A_66] {strides = array<i32>} : memref<1x5x64xf32, #tpu.memory_space<vmem>>, vector<1x1x16xf32>,
      %get3A_68 = vector.shape_cast %get3A_67 : vector<1x1x16xf32> to vector<16xf32>
      %get3A_69 = arith.constant 0 : i32
      %get3A_70 = arith.constant 1 : i32
      %get3A_71 = arith.index_cast %get3A_69 : i32 to index
      %get3A_72 = arith.index_cast %get3A_70 : i32 to index
      %get3A_73 = arith.constant 0 : index
      %get3A_74 = tpu.vector_load %arg6[%get3A_71, %get3A_72, %get3A_73] {strides = array<i32>} : memref<1x5x64xf32, #tpu.memory_space<vmem>>, vector<1x1x16xf32>,
      %get3A_75 = vector.shape_cast %get3A_74 : vector<1x1x16xf32> to vector<16xf32>
      %get3A_76 = arith.constant 0 : i32
      %get3A_77 = arith.constant 2 : i32
      %get3A_78 = arith.index_cast %get3A_76 : i32 to index
      %get3A_79 = arith.index_cast %get3A_77 : i32 to index
      %get3A_80 = arith.constant 0 : index
      %get3A_81 = tpu.vector_load %arg6[%get3A_78, %get3A_79, %get3A_80] {strides = array<i32>} : memref<1x5x64xf32, #tpu.memory_space<vmem>>, vector<1x1x16xf32>,
      %get3A_82 = vector.shape_cast %get3A_81 : vector<1x1x16xf32> to vector<16xf32>
      %get3A_83 = arith.constant 0 : i32
      %get3A_84 = arith.constant 3 : i32
      %get3A_85 = arith.index_cast %get3A_83 : i32 to index
      %get3A_86 = arith.index_cast %get3A_84 : i32 to index
      %get3A_87 = arith.constant 0 : index
      %get3A_88 = tpu.vector_load %arg6[%get3A_85, %get3A_86, %get3A_87] {strides = array<i32>} : memref<1x5x64xf32, #tpu.memory_space<vmem>>, vector<1x1x16xf32>,
      %get3A_89 = vector.shape_cast %get3A_88 : vector<1x1x16xf32> to vector<16xf32>
      %get3A_90 = arith.constant 0 : i32
      %get3A_91 = arith.constant 4 : i32
      %get3A_92 = arith.index_cast %get3A_90 : i32 to index
      %get3A_93 = arith.index_cast %get3A_91 : i32 to index
      %get3A_94 = arith.constant 0 : index
      %get3A_95 = tpu.vector_load %arg6[%get3A_92, %get3A_93, %get3A_94] {strides = array<i32>} : memref<1x5x64xf32, #tpu.memory_space<vmem>>, vector<1x1x16xf32>,
      %get3A_96 = vector.shape_cast %get3A_95 : vector<1x1x16xf32> to vector<16xf32>
      %sub3A_97 = arith.subf %get3A_82, %get3A_68 : vector<16xf32>
      %sub3A_98 = arith.subf %get3A_89, %get3A_75 : vector<16xf32>
      %mul3A_99 = arith.mulf %sub3A_97, %sub3A_98 : vector<16xf32>
      %min3A = arith.minimumf %get3A_52, %get3A_82 : vector<16xf32>
      %max3A = arith.maximumf %get3A_38, %get3A_68 : vector<16xf32>
      %sub3A_100 = arith.subf %min3A, %max3A : vector<16xf32>
      %max3A_101 = arith.constant 0.000000e+00 : f32
      %max3A_102 = vector.broadcast %max3A_101 : f32 to vector<16xf32>
      %max3A_103 = arith.maximumf %sub3A_100, %max3A_102 : vector<16xf32>
      %min3A_104 = arith.minimumf %get3A_59, %get3A_89 : vector<16xf32>
      %max3A_105 = arith.maximumf %get3A_45, %get3A_75 : vector<16xf32>
      %sub3A_106 = arith.subf %min3A_104, %max3A_105 : vector<16xf32>
      %max3A_107 = arith.constant 0.000000e+00 : f32
      %max3A_108 = vector.broadcast %max3A_107 : f32 to vector<16xf32>
      %max3A_109 = arith.maximumf %sub3A_106, %max3A_108 : vector<16xf32>
      %mul3A_110 = arith.mulf %max3A_103, %max3A_109 : vector<16xf32>
      %add3A_111 = arith.addf %mul3A, %mul3A_99 : vector<16xf32>
      %sub3A_112 = arith.subf %add3A_111, %mul3A_110 : vector<16xf32>
      %max3A_113 = arith.constant 9.99999993E-9 : f32
      %max3A_114 = vector.broadcast %max3A_113 : f32 to vector<16xf32>
      %max3A_115 = arith.maximumf %sub3A_112, %max3A_114 : vector<16xf32>
      %div3A_116 = arith.divf %mul3A_110, %max3A_115 : vector<16xf32>
      %ne3A_117 = arith.constant -1.000000e+00 : f32
      %ne3A_118 = vector.broadcast %ne3A_117 : f32 to vector<16xf32>
      %ne3A_119 = arith.cmpf one, %get3A_96, %ne3A_118 : vector<16xf32>
      %jit3A_120 = arith.constant -1.000000e+00 : f32
      %broadcast_in_dim3A = vector.broadcast %jit3A_120 : f32 to vector<16xf32>
      %select_n3A_121 = arith.select %ne3A_119, %div3A_116, %broadcast_in_dim3A : vector<16xi1>, vector<16xf32>
      %get3A_122 = arith.constant 0 : i32
      %get3A_123 = arith.constant 0 : i32
      %get3A_124 = arith.index_cast %get3A_122 : i32 to index
      %get3A_125 = arith.index_cast %get3A_123 : i32 to index
      %get3A_126 = arith.constant 16 : index
      %get3A_127 = tpu.vector_load %arg6[%get3A_124, %get3A_125, %get3A_126] {strides = array<i32>} : memref<1x5x64xf32, #tpu.memory_space<vmem>>, vector<1x1x16xf32>,
      %get3A_128 = vector.shape_cast %get3A_127 : vector<1x1x16xf32> to vector<16xf32>
      %get3A_129 = arith.constant 0 : i32
      %get3A_130 = arith.constant 1 : i32
      %get3A_131 = arith.index_cast %get3A_129 : i32 to index
      %get3A_132 = arith.index_cast %get3A_130 : i32 to index
      %get3A_133 = arith.constant 16 : index
      %get3A_134 = tpu.vector_load %arg6[%get3A_131, %get3A_132, %get3A_133] {strides = array<i32>} : memref<1x5x64xf32, #tpu.memory_space<vmem>>, vector<1x1x16xf32>,
      %get3A_135 = vector.shape_cast %get3A_134 : vector<1x1x16xf32> to vector<16xf32>
      %get3A_136 = arith.constant 0 : i32
      %get3A_137 = arith.constant 2 : i32
      %get3A_138 = arith.index_cast %get3A_136 : i32 to index
      %get3A_139 = arith.index_cast %get3A_137 : i32 to index
      %get3A_140 = arith.constant 16 : index
      %get3A_141 = tpu.vector_load %arg6[%get3A_138, %get3A_139, %get3A_140] {strides = array<i32>} : memref<1x5x64xf32, #tpu.memory_space<vmem>>, vector<1x1x16xf32>,
      %get3A_142 = vector.shape_cast %get3A_141 : vector<1x1x16xf32> to vector<16xf32>
      %get3A_143 = arith.constant 0 : i32
      %get3A_144 = arith.constant 3 : i32
      %get3A_145 = arith.index_cast %get3A_143 : i32 to index
      %get3A_146 = arith.index_cast %get3A_144 : i32 to index
      %get3A_147 = arith.constant 16 : index
      %get3A_148 = tpu.vector_load %arg6[%get3A_145, %get3A_146, %get3A_147] {strides = array<i32>} : memref<1x5x64xf32, #tpu.memory_space<vmem>>, vector<1x1x16xf32>,
      %get3A_149 = vector.shape_cast %get3A_148 : vector<1x1x16xf32> to vector<16xf32>
      %get3A_150 = arith.constant 0 : i32
      %get3A_151 = arith.constant 4 : i32
      %get3A_152 = arith.index_cast %get3A_150 : i32 to index
      %get3A_153 = arith.index_cast %get3A_151 : i32 to index
      %get3A_154 = arith.constant 16 : index
      %get3A_155 = tpu.vector_load %arg6[%get3A_152, %get3A_153, %get3A_154] {strides = array<i32>} : memref<1x5x64xf32, #tpu.memory_space<vmem>>, vector<1x1x16xf32>,
      %get3A_156 = vector.shape_cast %get3A_155 : vector<1x1x16xf32> to vector<16xf32>
      %sub3A_157 = arith.subf %get3A_142, %get3A_128 : vector<16xf32>
      %sub3A_158 = arith.subf %get3A_149, %get3A_135 : vector<16xf32>
      %mul3A_159 = arith.mulf %sub3A_157, %sub3A_158 : vector<16xf32>
      %min3A_160 = arith.minimumf %get3A_52, %get3A_142 : vector<16xf32>
      %max3A_161 = arith.maximumf %get3A_38, %get3A_128 : vector<16xf32>
      %sub3A_162 = arith.subf %min3A_160, %max3A_161 : vector<16xf32>
      %max3A_163 = arith.constant 0.000000e+00 : f32
      %max3A_164 = vector.broadcast %max3A_163 : f32 to vector<16xf32>
      %max3A_165 = arith.maximumf %sub3A_162, %max3A_164 : vector<16xf32>
      %min3A_166 = arith.minimumf %get3A_59, %get3A_149 : vector<16xf32>
      %max3A_167 = arith.maximumf %get3A_45, %get3A_135 : vector<16xf32>
      %sub3A_168 = arith.subf %min3A_166, %max3A_167 : vector<16xf32>
      %max3A_169 = arith.constant 0.000000e+00 : f32
      %max3A_170 = vector.broadcast %max3A_169 : f32 to vector<16xf32>
      %max3A_171 = arith.maximumf %sub3A_168, %max3A_170 : vector<16xf32>
      %mul3A_172 = arith.mulf %max3A_165, %max3A_171 : vector<16xf32>
      %add3A_173 = arith.addf %mul3A, %mul3A_159 : vector<16xf32>
      %sub3A_174 = arith.subf %add3A_173, %mul3A_172 : vector<16xf32>
      %max3A_175 = arith.constant 9.99999993E-9 : f32
      %max3A_176 = vector.broadcast %max3A_175 : f32 to vector<16xf32>
      %max3A_177 = arith.maximumf %sub3A_174, %max3A_176 : vector<16xf32>
      %div3A_178 = arith.divf %mul3A_172, %max3A_177 : vector<16xf32>
      %ne3A_179 = arith.constant -1.000000e+00 : f32
      %ne3A_180 = vector.broadcast %ne3A_179 : f32 to vector<16xf32>
      %ne3A_181 = arith.cmpf one, %get3A_156, %ne3A_180 : vector<16xf32>
      %jit3A_182 = arith.constant -1.000000e+00 : f32
      %broadcast_in_dim3A_183 = vector.broadcast %jit3A_182 : f32 to vector<16xf32>
      %select_n3A_184 = arith.select %ne3A_181, %div3A_178, %broadcast_in_dim3A_183 : vector<16xi1>, vector<16xf32>
      %get3A_185 = arith.constant 0 : i32
      %get3A_186 = arith.constant 0 : i32
      %get3A_187 = arith.index_cast %get3A_185 : i32 to index
      %get3A_188 = arith.index_cast %get3A_186 : i32 to index
      %get3A_189 = arith.constant 32 : index
      %get3A_190 = tpu.vector_load %arg6[%get3A_187, %get3A_188, %get3A_189] {strides = array<i32>} : memref<1x5x64xf32, #tpu.memory_space<vmem>>, vector<1x1x16xf32>,
      %get3A_191 = vector.shape_cast %get3A_190 : vector<1x1x16xf32> to vector<16xf32>
      %get3A_192 = arith.constant 0 : i32
      %get3A_193 = arith.constant 1 : i32
      %get3A_194 = arith.index_cast %get3A_192 : i32 to index
      %get3A_195 = arith.index_cast %get3A_193 : i32 to index
      %get3A_196 = arith.constant 32 : index
      %get3A_197 = tpu.vector_load %arg6[%get3A_194, %get3A_195, %get3A_196] {strides = array<i32>} : memref<1x5x64xf32, #tpu.memory_space<vmem>>, vector<1x1x16xf32>,
      %get3A_198 = vector.shape_cast %get3A_197 : vector<1x1x16xf32> to vector<16xf32>
      %get3A_199 = arith.constant 0 : i32
      %get3A_200 = arith.constant 2 : i32
      %get3A_201 = arith.index_cast %get3A_199 : i32 to index
      %get3A_202 = arith.index_cast %get3A_200 : i32 to index
      %get3A_203 = arith.constant 32 : index
      %get3A_204 = tpu.vector_load %arg6[%get3A_201, %get3A_202, %get3A_203] {strides = array<i32>} : memref<1x5x64xf32, #tpu.memory_space<vmem>>, vector<1x1x16xf32>,
      %get3A_205 = vector.shape_cast %get3A_204 : vector<1x1x16xf32> to vector<16xf32>
      %get3A_206 = arith.constant 0 : i32
      %get3A_207 = arith.constant 3 : i32
      %get3A_208 = arith.index_cast %get3A_206 : i32 to index
      %get3A_209 = arith.index_cast %get3A_207 : i32 to index
      %get3A_210 = arith.constant 32 : index
      %get3A_211 = tpu.vector_load %arg6[%get3A_208, %get3A_209, %get3A_210] {strides = array<i32>} : memref<1x5x64xf32, #tpu.memory_space<vmem>>, vector<1x1x16xf32>,
      %get3A_212 = vector.shape_cast %get3A_211 : vector<1x1x16xf32> to vector<16xf32>
      %get3A_213 = arith.constant 0 : i32
      %get3A_214 = arith.constant 4 : i32
      %get3A_215 = arith.index_cast %get3A_213 : i32 to index
      %get3A_216 = arith.index_cast %get3A_214 : i32 to index
      %get3A_217 = arith.constant 32 : index
      %get3A_218 = tpu.vector_load %arg6[%get3A_215, %get3A_216, %get3A_217] {strides = array<i32>} : memref<1x5x64xf32, #tpu.memory_space<vmem>>, vector<1x1x16xf32>,
      %get3A_219 = vector.shape_cast %get3A_218 : vector<1x1x16xf32> to vector<16xf32>
      %sub3A_220 = arith.subf %get3A_205, %get3A_191 : vector<16xf32>
      %sub3A_221 = arith.subf %get3A_212, %get3A_198 : vector<16xf32>
      %mul3A_222 = arith.mulf %sub3A_220, %sub3A_221 : vector<16xf32>
      %min3A_223 = arith.minimumf %get3A_52, %get3A_205 : vector<16xf32>
      %max3A_224 = arith.maximumf %get3A_38, %get3A_191 : vector<16xf32>
      %sub3A_225 = arith.subf %min3A_223, %max3A_224 : vector<16xf32>
      %max3A_226 = arith.constant 0.000000e+00 : f32
      %max3A_227 = vector.broadcast %max3A_226 : f32 to vector<16xf32>
      %max3A_228 = arith.maximumf %sub3A_225, %max3A_227 : vector<16xf32>
      %min3A_229 = arith.minimumf %get3A_59, %get3A_212 : vector<16xf32>
      %max3A_230 = arith.maximumf %get3A_45, %get3A_198 : vector<16xf32>
      %sub3A_231 = arith.subf %min3A_229, %max3A_230 : vector<16xf32>
      %max3A_232 = arith.constant 0.000000e+00 : f32
      %max3A_233 = vector.broadcast %max3A_232 : f32 to vector<16xf32>
      %max3A_234 = arith.maximumf %sub3A_231, %max3A_233 : vector<16xf32>
      %mul3A_235 = arith.mulf %max3A_228, %max3A_234 : vector<16xf32>
      %add3A_236 = arith.addf %mul3A, %mul3A_222 : vector<16xf32>
      %sub3A_237 = arith.subf %add3A_236, %mul3A_235 : vector<16xf32>
      %max3A_238 = arith.constant 9.99999993E-9 : f32
      %max3A_239 = vector.broadcast %max3A_238 : f32 to vector<16xf32>
      %max3A_240 = arith.maximumf %sub3A_237, %max3A_239 : vector<16xf32>
      %div3A_241 = arith.divf %mul3A_235, %max3A_240 : vector<16xf32>
      %ne3A_242 = arith.constant -1.000000e+00 : f32
      %ne3A_243 = vector.broadcast %ne3A_242 : f32 to vector<16xf32>
      %ne3A_244 = arith.cmpf one, %get3A_219, %ne3A_243 : vector<16xf32>
      %jit3A_245 = arith.constant -1.000000e+00 : f32
      %broadcast_in_dim3A_246 = vector.broadcast %jit3A_245 : f32 to vector<16xf32>
      %select_n3A_247 = arith.select %ne3A_244, %div3A_241, %broadcast_in_dim3A_246 : vector<16xi1>, vector<16xf32>
      %get3A_248 = arith.constant 0 : i32
      %get3A_249 = arith.constant 0 : i32
      %get3A_250 = arith.index_cast %get3A_248 : i32 to index
      %get3A_251 = arith.index_cast %get3A_249 : i32 to index
      %get3A_252 = arith.constant 48 : index
      %get3A_253 = tpu.vector_load %arg6[%get3A_250, %get3A_251, %get3A_252] {strides = array<i32>} : memref<1x5x64xf32, #tpu.memory_space<vmem>>, vector<1x1x16xf32>,
      %get3A_254 = vector.shape_cast %get3A_253 : vector<1x1x16xf32> to vector<16xf32>
      %get3A_255 = arith.constant 0 : i32
      %get3A_256 = arith.constant 1 : i32
      %get3A_257 = arith.index_cast %get3A_255 : i32 to index
      %get3A_258 = arith.index_cast %get3A_256 : i32 to index
      %get3A_259 = arith.constant 48 : index
      %get3A_260 = tpu.vector_load %arg6[%get3A_257, %get3A_258, %get3A_259] {strides = array<i32>} : memref<1x5x64xf32, #tpu.memory_space<vmem>>, vector<1x1x16xf32>,
      %get3A_261 = vector.shape_cast %get3A_260 : vector<1x1x16xf32> to vector<16xf32>
      %get3A_262 = arith.constant 0 : i32
      %get3A_263 = arith.constant 2 : i32
      %get3A_264 = arith.index_cast %get3A_262 : i32 to index
      %get3A_265 = arith.index_cast %get3A_263 : i32 to index
      %get3A_266 = arith.constant 48 : index
      %get3A_267 = tpu.vector_load %arg6[%get3A_264, %get3A_265, %get3A_266] {strides = array<i32>} : memref<1x5x64xf32, #tpu.memory_space<vmem>>, vector<1x1x16xf32>,
      %get3A_268 = vector.shape_cast %get3A_267 : vector<1x1x16xf32> to vector<16xf32>
      %get3A_269 = arith.constant 0 : i32
      %get3A_270 = arith.constant 3 : i32
      %get3A_271 = arith.index_cast %get3A_269 : i32 to index
      %get3A_272 = arith.index_cast %get3A_270 : i32 to index
      %get3A_273 = arith.constant 48 : index
      %get3A_274 = tpu.vector_load %arg6[%get3A_271, %get3A_272, %get3A_273] {strides = array<i32>} : memref<1x5x64xf32, #tpu.memory_space<vmem>>, vector<1x1x16xf32>,
      %get3A_275 = vector.shape_cast %get3A_274 : vector<1x1x16xf32> to vector<16xf32>
      %get3A_276 = arith.constant 0 : i32
      %get3A_277 = arith.constant 4 : i32
      %get3A_278 = arith.index_cast %get3A_276 : i32 to index
      %get3A_279 = arith.index_cast %get3A_277 : i32 to index
      %get3A_280 = arith.constant 48 : index
      %get3A_281 = tpu.vector_load %arg6[%get3A_278, %get3A_279, %get3A_280] {strides = array<i32>} : memref<1x5x64xf32, #tpu.memory_space<vmem>>, vector<1x1x16xf32>,
      %get3A_282 = vector.shape_cast %get3A_281 : vector<1x1x16xf32> to vector<16xf32>
      %sub3A_283 = arith.subf %get3A_268, %get3A_254 : vector<16xf32>
      %sub3A_284 = arith.subf %get3A_275, %get3A_261 : vector<16xf32>
      %mul3A_285 = arith.mulf %sub3A_283, %sub3A_284 : vector<16xf32>
      %min3A_286 = arith.minimumf %get3A_52, %get3A_268 : vector<16xf32>
      %max3A_287 = arith.maximumf %get3A_38, %get3A_254 : vector<16xf32>
      %sub3A_288 = arith.subf %min3A_286, %max3A_287 : vector<16xf32>
      %max3A_289 = arith.constant 0.000000e+00 : f32
      %max3A_290 = vector.broadcast %max3A_289 : f32 to vector<16xf32>
      %max3A_291 = arith.maximumf %sub3A_288, %max3A_290 : vector<16xf32>
      %min3A_292 = arith.minimumf %get3A_59, %get3A_275 : vector<16xf32>
      %max3A_293 = arith.maximumf %get3A_45, %get3A_261 : vector<16xf32>
      %sub3A_294 = arith.subf %min3A_292, %max3A_293 : vector<16xf32>
      %max3A_295 = arith.constant 0.000000e+00 : f32
      %max3A_296 = vector.broadcast %max3A_295 : f32 to vector<16xf32>
      %max3A_297 = arith.maximumf %sub3A_294, %max3A_296 : vector<16xf32>
      %mul3A_298 = arith.mulf %max3A_291, %max3A_297 : vector<16xf32>
      %add3A_299 = arith.addf %mul3A, %mul3A_285 : vector<16xf32>
      %sub3A_300 = arith.subf %add3A_299, %mul3A_298 : vector<16xf32>
      %max3A_301 = arith.constant 9.99999993E-9 : f32
      %max3A_302 = vector.broadcast %max3A_301 : f32 to vector<16xf32>
      %max3A_303 = arith.maximumf %sub3A_300, %max3A_302 : vector<16xf32>
      %div3A_304 = arith.divf %mul3A_298, %max3A_303 : vector<16xf32>
      %ne3A_305 = arith.constant -1.000000e+00 : f32
      %ne3A_306 = vector.broadcast %ne3A_305 : f32 to vector<16xf32>
      %ne3A_307 = arith.cmpf one, %get3A_282, %ne3A_306 : vector<16xf32>
      %jit3A_308 = arith.constant -1.000000e+00 : f32
      %broadcast_in_dim3A_309 = vector.broadcast %jit3A_308 : f32 to vector<16xf32>
      %select_n3A_310 = arith.select %ne3A_307, %div3A_304, %broadcast_in_dim3A_309 : vector<16xi1>, vector<16xf32>
      %iota3A = tpu.iota {dimensions = array<i32: 0>} : vector<16xi32>
      %max3A_311 = arith.maximumf %select_n3A_121, %select_n3A_184 : vector<16xf32>
      %max3A_312 = arith.maximumf %select_n3A_247, %select_n3A_310 : vector<16xf32>
      %max3A_313 = arith.maximumf %max3A_311, %max3A_312 : vector<16xf32>
      %xor3A = arith.constant 8 : i32
      %xor3A_314 = vector.broadcast %xor3A : i32 to vector<16xi32>
      %xor3A_315 = arith.xori %iota3A, %xor3A_314 : vector<16xi32>
      %broadcast_in_dim3A_316 = vector.shape_cast %xor3A_315 : vector<16xi32> to vector<16x1xi32>
      %gather3A = vector.shape_cast %broadcast_in_dim3A_316 : vector<16x1xi32> to vector<16xi32>
      %gather3A_317 = tpu.dynamic_gather %max3A_313[%gather3A] in [0] : vector<16xf32>, vector<16xi32> -> vector<16xf32>
      %max3A_318 = arith.maximumf %max3A_313, %gather3A_317 : vector<16xf32>
      %xor3A_319 = arith.constant 4 : i32
      %xor3A_320 = vector.broadcast %xor3A_319 : i32 to vector<16xi32>
      %xor3A_321 = arith.xori %iota3A, %xor3A_320 : vector<16xi32>
      %broadcast_in_dim3A_322 = vector.shape_cast %xor3A_321 : vector<16xi32> to vector<16x1xi32>
      %gather3A_323 = vector.shape_cast %broadcast_in_dim3A_322 : vector<16x1xi32> to vector<16xi32>
      %gather3A_324 = tpu.dynamic_gather %max3A_318[%gather3A_323] in [0] : vector<16xf32>, vector<16xi32> -> vector<16xf32>
      %max3A_325 = arith.maximumf %max3A_318, %gather3A_324 : vector<16xf32>
      %xor3A_326 = arith.constant 2 : i32
      %xor3A_327 = vector.broadcast %xor3A_326 : i32 to vector<16xi32>
      %xor3A_328 = arith.xori %iota3A, %xor3A_327 : vector<16xi32>
      %broadcast_in_dim3A_329 = vector.shape_cast %xor3A_328 : vector<16xi32> to vector<16x1xi32>
      %gather3A_330 = vector.shape_cast %broadcast_in_dim3A_329 : vector<16x1xi32> to vector<16xi32>
      %gather3A_331 = tpu.dynamic_gather %max3A_325[%gather3A_330] in [0] : vector<16xf32>, vector<16xi32> -> vector<16xf32>
      %max3A_332 = arith.maximumf %max3A_325, %gather3A_331 : vector<16xf32>
      %xor3A_333 = arith.constant 1 : i32
      %xor3A_334 = vector.broadcast %xor3A_333 : i32 to vector<16xi32>
      %xor3A_335 = arith.xori %iota3A, %xor3A_334 : vector<16xi32>
      %broadcast_in_dim3A_336 = vector.shape_cast %xor3A_335 : vector<16xi32> to vector<16x1xi32>
      %gather3A_337 = vector.shape_cast %broadcast_in_dim3A_336 : vector<16x1xi32> to vector<16xi32>
      %gather3A_338 = tpu.dynamic_gather %max3A_332[%gather3A_337] in [0] : vector<16xf32>, vector<16xi32> -> vector<16xf32>
      %max3A_339 = arith.maximumf %max3A_332, %gather3A_338 : vector<16xf32>
      %broadcast_in_dim3A_340 = arith.constant 64 : i32
      %broadcast_in_dim3A_341 = vector.broadcast %broadcast_in_dim3A_340 : i32 to vector<16xi32>
      %eq3A_342 = arith.cmpf oeq, %select_n3A_121, %max3A_339 : vector<16xf32>
      %add3A_343 = arith.constant 0 : i32
      %add3A_344 = vector.broadcast %add3A_343 : i32 to vector<16xi32>
      %add3A_345 = arith.addi %iota3A, %add3A_344 : vector<16xi32>
      %jit3A_346 = arith.constant 64 : i32
      %broadcast_in_dim3A_347 = vector.broadcast %jit3A_346 : i32 to vector<16xi32>
      %select_n3A_348 = arith.select %eq3A_342, %add3A_345, %broadcast_in_dim3A_347 : vector<16xi1>, vector<16xi32>
      %min3A_349 = arith.minsi %broadcast_in_dim3A_341, %select_n3A_348 : vector<16xi32>
      %eq3A_350 = arith.cmpf oeq, %select_n3A_184, %max3A_339 : vector<16xf32>
      %add3A_351 = arith.constant 16 : i32
      %add3A_352 = vector.broadcast %add3A_351 : i32 to vector<16xi32>
      %add3A_353 = arith.addi %iota3A, %add3A_352 : vector<16xi32>
      %jit3A_354 = arith.constant 64 : i32
      %broadcast_in_dim3A_355 = vector.broadcast %jit3A_354 : i32 to vector<16xi32>
      %select_n3A_356 = arith.select %eq3A_350, %add3A_353, %broadcast_in_dim3A_355 : vector<16xi1>, vector<16xi32>
      %min3A_357 = arith.minsi %min3A_349, %select_n3A_356 : vector<16xi32>
      %eq3A_358 = arith.cmpf oeq, %select_n3A_247, %max3A_339 : vector<16xf32>
      %add3A_359 = arith.constant 32 : i32
      %add3A_360 = vector.broadcast %add3A_359 : i32 to vector<16xi32>
      %add3A_361 = arith.addi %iota3A, %add3A_360 : vector<16xi32>
      %jit3A_362 = arith.constant 64 : i32
      %broadcast_in_dim3A_363 = vector.broadcast %jit3A_362 : i32 to vector<16xi32>
      %select_n3A_364 = arith.select %eq3A_358, %add3A_361, %broadcast_in_dim3A_363 : vector<16xi1>, vector<16xi32>
      %min3A_365 = arith.minsi %min3A_357, %select_n3A_364 : vector<16xi32>
      %eq3A_366 = arith.cmpf oeq, %select_n3A_310, %max3A_339 : vector<16xf32>
      %add3A_367 = arith.constant 48 : i32
      %add3A_368 = vector.broadcast %add3A_367 : i32 to vector<16xi32>
      %add3A_369 = arith.addi %iota3A, %add3A_368 : vector<16xi32>
      %jit3A_370 = arith.constant 64 : i32
      %broadcast_in_dim3A_371 = vector.broadcast %jit3A_370 : i32 to vector<16xi32>
      %select_n3A_372 = arith.select %eq3A_366, %add3A_369, %broadcast_in_dim3A_371 : vector<16xi1>, vector<16xi32>
      %min3A_373 = arith.minsi %min3A_365, %select_n3A_372 : vector<16xi32>
      %xor3A_374 = arith.constant 8 : i32
      %xor3A_375 = vector.broadcast %xor3A_374 : i32 to vector<16xi32>
      %xor3A_376 = arith.xori %iota3A, %xor3A_375 : vector<16xi32>
      %broadcast_in_dim3A_377 = vector.shape_cast %xor3A_376 : vector<16xi32> to vector<16x1xi32>
      %gather3A_378 = vector.shape_cast %broadcast_in_dim3A_377 : vector<16x1xi32> to vector<16xi32>
      %gather3A_379 = tpu.dynamic_gather %min3A_373[%gather3A_378] in [0] : vector<16xi32>, vector<16xi32> -> vector<16xi32>
      %min3A_380 = arith.minsi %min3A_373, %gather3A_379 : vector<16xi32>
      %xor3A_381 = arith.constant 4 : i32
      %xor3A_382 = vector.broadcast %xor3A_381 : i32 to vector<16xi32>
      %xor3A_383 = arith.xori %iota3A, %xor3A_382 : vector<16xi32>
      %broadcast_in_dim3A_384 = vector.shape_cast %xor3A_383 : vector<16xi32> to vector<16x1xi32>
      %gather3A_385 = vector.shape_cast %broadcast_in_dim3A_384 : vector<16x1xi32> to vector<16xi32>
      %gather3A_386 = tpu.dynamic_gather %min3A_380[%gather3A_385] in [0] : vector<16xi32>, vector<16xi32> -> vector<16xi32>
      %min3A_387 = arith.minsi %min3A_380, %gather3A_386 : vector<16xi32>
      %xor3A_388 = arith.constant 2 : i32
      %xor3A_389 = vector.broadcast %xor3A_388 : i32 to vector<16xi32>
      %xor3A_390 = arith.xori %iota3A, %xor3A_389 : vector<16xi32>
      %broadcast_in_dim3A_391 = vector.shape_cast %xor3A_390 : vector<16xi32> to vector<16x1xi32>
      %gather3A_392 = vector.shape_cast %broadcast_in_dim3A_391 : vector<16x1xi32> to vector<16xi32>
      %gather3A_393 = tpu.dynamic_gather %min3A_387[%gather3A_392] in [0] : vector<16xi32>, vector<16xi32> -> vector<16xi32>
      %min3A_394 = arith.minsi %min3A_387, %gather3A_393 : vector<16xi32>
      %xor3A_395 = arith.constant 1 : i32
      %xor3A_396 = vector.broadcast %xor3A_395 : i32 to vector<16xi32>
      %xor3A_397 = arith.xori %iota3A, %xor3A_396 : vector<16xi32>
      %broadcast_in_dim3A_398 = vector.shape_cast %xor3A_397 : vector<16xi32> to vector<16x1xi32>
      %gather3A_399 = vector.shape_cast %broadcast_in_dim3A_398 : vector<16x1xi32> to vector<16xi32>
      %gather3A_400 = tpu.dynamic_gather %min3A_394[%gather3A_399] in [0] : vector<16xi32>, vector<16xi32> -> vector<16xi32>
      %min3A_401 = arith.minsi %min3A_394, %gather3A_400 : vector<16xi32>
      %add3A_402 = arith.constant 0 : i32
      %add3A_403 = vector.broadcast %add3A_402 : i32 to vector<16xi32>
      %add3A_404 = arith.addi %iota3A, %add3A_403 : vector<16xi32>
      %eq3A_405 = arith.cmpi eq, %min3A_401, %add3A_404 : vector<16xi32>
      %add3A_406 = arith.constant 16 : i32
      %add3A_407 = vector.broadcast %add3A_406 : i32 to vector<16xi32>
      %add3A_408 = arith.addi %iota3A, %add3A_407 : vector<16xi32>
      %eq3A_409 = arith.cmpi eq, %min3A_401, %add3A_408 : vector<16xi32>
      %add3A_410 = arith.constant 32 : i32
      %add3A_411 = vector.broadcast %add3A_410 : i32 to vector<16xi32>
      %add3A_412 = arith.addi %iota3A, %add3A_411 : vector<16xi32>
      %eq3A_413 = arith.cmpi eq, %min3A_401, %add3A_412 : vector<16xi32>
      %add3A_414 = arith.constant 48 : i32
      %add3A_415 = vector.broadcast %add3A_414 : i32 to vector<16xi32>
      %add3A_416 = arith.addi %iota3A, %add3A_415 : vector<16xi32>
      %eq3A_417 = arith.cmpi eq, %min3A_401, %add3A_416 : vector<16xi32>
      %broadcast_in_dim3A_418 = arith.constant 0.000000e+00 : f32
      %broadcast_in_dim3A_419 = vector.broadcast %broadcast_in_dim3A_418 : f32 to vector<16xf32>
      %get3A_420 = arith.constant 0 : i32
      %get3A_421 = arith.constant 0 : i32
      %get3A_422 = arith.index_cast %get3A_420 : i32 to index
      %get3A_423 = arith.index_cast %get3A_421 : i32 to index
      %get3A_424 = arith.constant 0 : index
      %get3A_425 = tpu.vector_load %arg6[%get3A_422, %get3A_423, %get3A_424] {strides = array<i32>} : memref<1x5x64xf32, #tpu.memory_space<vmem>>, vector<1x1x16xf32>,
      %get3A_426 = vector.shape_cast %get3A_425 : vector<1x1x16xf32> to vector<16xf32>
      %jit3A_427 = arith.constant 0.000000e+00 : f32
      %broadcast_in_dim3A_428 = vector.broadcast %jit3A_427 : f32 to vector<16xf32>
      %select_n3A_429 = arith.select %eq3A_405, %get3A_426, %broadcast_in_dim3A_428 : vector<16xi1>, vector<16xf32>
      %add3A_430 = arith.addf %broadcast_in_dim3A_419, %select_n3A_429 : vector<16xf32>
      %get3A_431 = arith.constant 0 : i32
      %get3A_432 = arith.constant 0 : i32
      %get3A_433 = arith.index_cast %get3A_431 : i32 to index
      %get3A_434 = arith.index_cast %get3A_432 : i32 to index
      %get3A_435 = arith.constant 16 : index
      %get3A_436 = tpu.vector_load %arg6[%get3A_433, %get3A_434, %get3A_435] {strides = array<i32>} : memref<1x5x64xf32, #tpu.memory_space<vmem>>, vector<1x1x16xf32>,
      %get3A_437 = vector.shape_cast %get3A_436 : vector<1x1x16xf32> to vector<16xf32>
      %jit3A_438 = arith.constant 0.000000e+00 : f32
      %broadcast_in_dim3A_439 = vector.broadcast %jit3A_438 : f32 to vector<16xf32>
      %select_n3A_440 = arith.select %eq3A_409, %get3A_437, %broadcast_in_dim3A_439 : vector<16xi1>, vector<16xf32>
      %add3A_441 = arith.addf %add3A_430, %select_n3A_440 : vector<16xf32>
      %get3A_442 = arith.constant 0 : i32
      %get3A_443 = arith.constant 0 : i32
      %get3A_444 = arith.index_cast %get3A_442 : i32 to index
      %get3A_445 = arith.index_cast %get3A_443 : i32 to index
      %get3A_446 = arith.constant 32 : index
      %get3A_447 = tpu.vector_load %arg6[%get3A_444, %get3A_445, %get3A_446] {strides = array<i32>} : memref<1x5x64xf32, #tpu.memory_space<vmem>>, vector<1x1x16xf32>,
      %get3A_448 = vector.shape_cast %get3A_447 : vector<1x1x16xf32> to vector<16xf32>
      %jit3A_449 = arith.constant 0.000000e+00 : f32
      %broadcast_in_dim3A_450 = vector.broadcast %jit3A_449 : f32 to vector<16xf32>
      %select_n3A_451 = arith.select %eq3A_413, %get3A_448, %broadcast_in_dim3A_450 : vector<16xi1>, vector<16xf32>
      %add3A_452 = arith.addf %add3A_441, %select_n3A_451 : vector<16xf32>
      %get3A_453 = arith.constant 0 : i32
      %get3A_454 = arith.constant 0 : i32
      %get3A_455 = arith.index_cast %get3A_453 : i32 to index
      %get3A_456 = arith.index_cast %get3A_454 : i32 to index
      %get3A_457 = arith.constant 48 : index
      %get3A_458 = tpu.vector_load %arg6[%get3A_455, %get3A_456, %get3A_457] {strides = array<i32>} : memref<1x5x64xf32, #tpu.memory_space<vmem>>, vector<1x1x16xf32>,
      %get3A_459 = vector.shape_cast %get3A_458 : vector<1x1x16xf32> to vector<16xf32>
      %jit3A_460 = arith.constant 0.000000e+00 : f32
      %broadcast_in_dim3A_461 = vector.broadcast %jit3A_460 : f32 to vector<16xf32>
      %select_n3A_462 = arith.select %eq3A_417, %get3A_459, %broadcast_in_dim3A_461 : vector<16xi1>, vector<16xf32>
      %add3A_463 = arith.addf %add3A_452, %select_n3A_462 : vector<16xf32>
      %broadcast_in_dim3A_464 = arith.constant 0.000000e+00 : f32
      %broadcast_in_dim3A_465 = vector.broadcast %broadcast_in_dim3A_464 : f32 to vector<16xf32>
      %get3A_466 = arith.constant 0 : i32
      %get3A_467 = arith.constant 1 : i32
      %get3A_468 = arith.index_cast %get3A_466 : i32 to index
      %get3A_469 = arith.index_cast %get3A_467 : i32 to index
      %get3A_470 = arith.constant 0 : index
      %get3A_471 = tpu.vector_load %arg6[%get3A_468, %get3A_469, %get3A_470] {strides = array<i32>} : memref<1x5x64xf32, #tpu.memory_space<vmem>>, vector<1x1x16xf32>,
      %get3A_472 = vector.shape_cast %get3A_471 : vector<1x1x16xf32> to vector<16xf32>
      %jit3A_473 = arith.constant 0.000000e+00 : f32
      %broadcast_in_dim3A_474 = vector.broadcast %jit3A_473 : f32 to vector<16xf32>
      %select_n3A_475 = arith.select %eq3A_405, %get3A_472, %broadcast_in_dim3A_474 : vector<16xi1>, vector<16xf32>
      %add3A_476 = arith.addf %broadcast_in_dim3A_465, %select_n3A_475 : vector<16xf32>
      %get3A_477 = arith.constant 0 : i32
      %get3A_478 = arith.constant 1 : i32
      %get3A_479 = arith.index_cast %get3A_477 : i32 to index
      %get3A_480 = arith.index_cast %get3A_478 : i32 to index
      %get3A_481 = arith.constant 16 : index
      %get3A_482 = tpu.vector_load %arg6[%get3A_479, %get3A_480, %get3A_481] {strides = array<i32>} : memref<1x5x64xf32, #tpu.memory_space<vmem>>, vector<1x1x16xf32>,
      %get3A_483 = vector.shape_cast %get3A_482 : vector<1x1x16xf32> to vector<16xf32>
      %jit3A_484 = arith.constant 0.000000e+00 : f32
      %broadcast_in_dim3A_485 = vector.broadcast %jit3A_484 : f32 to vector<16xf32>
      %select_n3A_486 = arith.select %eq3A_409, %get3A_483, %broadcast_in_dim3A_485 : vector<16xi1>, vector<16xf32>
      %add3A_487 = arith.addf %add3A_476, %select_n3A_486 : vector<16xf32>
      %get3A_488 = arith.constant 0 : i32
      %get3A_489 = arith.constant 1 : i32
      %get3A_490 = arith.index_cast %get3A_488 : i32 to index
      %get3A_491 = arith.index_cast %get3A_489 : i32 to index
      %get3A_492 = arith.constant 32 : index
      %get3A_493 = tpu.vector_load %arg6[%get3A_490, %get3A_491, %get3A_492] {strides = array<i32>} : memref<1x5x64xf32, #tpu.memory_space<vmem>>, vector<1x1x16xf32>,
      %get3A_494 = vector.shape_cast %get3A_493 : vector<1x1x16xf32> to vector<16xf32>
      %jit3A_495 = arith.constant 0.000000e+00 : f32
      %broadcast_in_dim3A_496 = vector.broadcast %jit3A_495 : f32 to vector<16xf32>
      %select_n3A_497 = arith.select %eq3A_413, %get3A_494, %broadcast_in_dim3A_496 : vector<16xi1>, vector<16xf32>
      %add3A_498 = arith.addf %add3A_487, %select_n3A_497 : vector<16xf32>
      %get3A_499 = arith.constant 0 : i32
      %get3A_500 = arith.constant 1 : i32
      %get3A_501 = arith.index_cast %get3A_499 : i32 to index
      %get3A_502 = arith.index_cast %get3A_500 : i32 to index
      %get3A_503 = arith.constant 48 : index
      %get3A_504 = tpu.vector_load %arg6[%get3A_501, %get3A_502, %get3A_503] {strides = array<i32>} : memref<1x5x64xf32, #tpu.memory_space<vmem>>, vector<1x1x16xf32>,
      %get3A_505 = vector.shape_cast %get3A_504 : vector<1x1x16xf32> to vector<16xf32>
      %jit3A_506 = arith.constant 0.000000e+00 : f32
      %broadcast_in_dim3A_507 = vector.broadcast %jit3A_506 : f32 to vector<16xf32>
      %select_n3A_508 = arith.select %eq3A_417, %get3A_505, %broadcast_in_dim3A_507 : vector<16xi1>, vector<16xf32>
      %add3A_509 = arith.addf %add3A_498, %select_n3A_508 : vector<16xf32>
      %broadcast_in_dim3A_510 = arith.constant 0.000000e+00 : f32
      %broadcast_in_dim3A_511 = vector.broadcast %broadcast_in_dim3A_510 : f32 to vector<16xf32>
      %get3A_512 = arith.constant 0 : i32
      %get3A_513 = arith.constant 2 : i32
      %get3A_514 = arith.index_cast %get3A_512 : i32 to index
      %get3A_515 = arith.index_cast %get3A_513 : i32 to index
      %get3A_516 = arith.constant 0 : index
      %get3A_517 = tpu.vector_load %arg6[%get3A_514, %get3A_515, %get3A_516] {strides = array<i32>} : memref<1x5x64xf32, #tpu.memory_space<vmem>>, vector<1x1x16xf32>,
      %get3A_518 = vector.shape_cast %get3A_517 : vector<1x1x16xf32> to vector<16xf32>
      %jit3A_519 = arith.constant 0.000000e+00 : f32
      %broadcast_in_dim3A_520 = vector.broadcast %jit3A_519 : f32 to vector<16xf32>
      %select_n3A_521 = arith.select %eq3A_405, %get3A_518, %broadcast_in_dim3A_520 : vector<16xi1>, vector<16xf32>
      %add3A_522 = arith.addf %broadcast_in_dim3A_511, %select_n3A_521 : vector<16xf32>
      %get3A_523 = arith.constant 0 : i32
      %get3A_524 = arith.constant 2 : i32
      %get3A_525 = arith.index_cast %get3A_523 : i32 to index
      %get3A_526 = arith.index_cast %get3A_524 : i32 to index
      %get3A_527 = arith.constant 16 : index
      %get3A_528 = tpu.vector_load %arg6[%get3A_525, %get3A_526, %get3A_527] {strides = array<i32>} : memref<1x5x64xf32, #tpu.memory_space<vmem>>, vector<1x1x16xf32>,
      %get3A_529 = vector.shape_cast %get3A_528 : vector<1x1x16xf32> to vector<16xf32>
      %jit3A_530 = arith.constant 0.000000e+00 : f32
      %broadcast_in_dim3A_531 = vector.broadcast %jit3A_530 : f32 to vector<16xf32>
      %select_n3A_532 = arith.select %eq3A_409, %get3A_529, %broadcast_in_dim3A_531 : vector<16xi1>, vector<16xf32>
      %add3A_533 = arith.addf %add3A_522, %select_n3A_532 : vector<16xf32>
      %get3A_534 = arith.constant 0 : i32
      %get3A_535 = arith.constant 2 : i32
      %get3A_536 = arith.index_cast %get3A_534 : i32 to index
      %get3A_537 = arith.index_cast %get3A_535 : i32 to index
      %get3A_538 = arith.constant 32 : index
      %get3A_539 = tpu.vector_load %arg6[%get3A_536, %get3A_537, %get3A_538] {strides = array<i32>} : memref<1x5x64xf32, #tpu.memory_space<vmem>>, vector<1x1x16xf32>,
      %get3A_540 = vector.shape_cast %get3A_539 : vector<1x1x16xf32> to vector<16xf32>
      %jit3A_541 = arith.constant 0.000000e+00 : f32
      %broadcast_in_dim3A_542 = vector.broadcast %jit3A_541 : f32 to vector<16xf32>
      %select_n3A_543 = arith.select %eq3A_413, %get3A_540, %broadcast_in_dim3A_542 : vector<16xi1>, vector<16xf32>
      %add3A_544 = arith.addf %add3A_533, %select_n3A_543 : vector<16xf32>
      %get3A_545 = arith.constant 0 : i32
      %get3A_546 = arith.constant 2 : i32
      %get3A_547 = arith.index_cast %get3A_545 : i32 to index
      %get3A_548 = arith.index_cast %get3A_546 : i32 to index
      %get3A_549 = arith.constant 48 : index
      %get3A_550 = tpu.vector_load %arg6[%get3A_547, %get3A_548, %get3A_549] {strides = array<i32>} : memref<1x5x64xf32, #tpu.memory_space<vmem>>, vector<1x1x16xf32>,
      %get3A_551 = vector.shape_cast %get3A_550 : vector<1x1x16xf32> to vector<16xf32>
      %jit3A_552 = arith.constant 0.000000e+00 : f32
      %broadcast_in_dim3A_553 = vector.broadcast %jit3A_552 : f32 to vector<16xf32>
      %select_n3A_554 = arith.select %eq3A_417, %get3A_551, %broadcast_in_dim3A_553 : vector<16xi1>, vector<16xf32>
      %add3A_555 = arith.addf %add3A_544, %select_n3A_554 : vector<16xf32>
      %broadcast_in_dim3A_556 = arith.constant 0.000000e+00 : f32
      %broadcast_in_dim3A_557 = vector.broadcast %broadcast_in_dim3A_556 : f32 to vector<16xf32>
      %get3A_558 = arith.constant 0 : i32
      %get3A_559 = arith.constant 3 : i32
      %get3A_560 = arith.index_cast %get3A_558 : i32 to index
      %get3A_561 = arith.index_cast %get3A_559 : i32 to index
      %get3A_562 = arith.constant 0 : index
      %get3A_563 = tpu.vector_load %arg6[%get3A_560, %get3A_561, %get3A_562] {strides = array<i32>} : memref<1x5x64xf32, #tpu.memory_space<vmem>>, vector<1x1x16xf32>,
      %get3A_564 = vector.shape_cast %get3A_563 : vector<1x1x16xf32> to vector<16xf32>
      %jit3A_565 = arith.constant 0.000000e+00 : f32
      %broadcast_in_dim3A_566 = vector.broadcast %jit3A_565 : f32 to vector<16xf32>
      %select_n3A_567 = arith.select %eq3A_405, %get3A_564, %broadcast_in_dim3A_566 : vector<16xi1>, vector<16xf32>
      %add3A_568 = arith.addf %broadcast_in_dim3A_557, %select_n3A_567 : vector<16xf32>
      %get3A_569 = arith.constant 0 : i32
      %get3A_570 = arith.constant 3 : i32
      %get3A_571 = arith.index_cast %get3A_569 : i32 to index
      %get3A_572 = arith.index_cast %get3A_570 : i32 to index
      %get3A_573 = arith.constant 16 : index
      %get3A_574 = tpu.vector_load %arg6[%get3A_571, %get3A_572, %get3A_573] {strides = array<i32>} : memref<1x5x64xf32, #tpu.memory_space<vmem>>, vector<1x1x16xf32>,
      %get3A_575 = vector.shape_cast %get3A_574 : vector<1x1x16xf32> to vector<16xf32>
      %jit3A_576 = arith.constant 0.000000e+00 : f32
      %broadcast_in_dim3A_577 = vector.broadcast %jit3A_576 : f32 to vector<16xf32>
      %select_n3A_578 = arith.select %eq3A_409, %get3A_575, %broadcast_in_dim3A_577 : vector<16xi1>, vector<16xf32>
      %add3A_579 = arith.addf %add3A_568, %select_n3A_578 : vector<16xf32>
      %get3A_580 = arith.constant 0 : i32
      %get3A_581 = arith.constant 3 : i32
      %get3A_582 = arith.index_cast %get3A_580 : i32 to index
      %get3A_583 = arith.index_cast %get3A_581 : i32 to index
      %get3A_584 = arith.constant 32 : index
      %get3A_585 = tpu.vector_load %arg6[%get3A_582, %get3A_583, %get3A_584] {strides = array<i32>} : memref<1x5x64xf32, #tpu.memory_space<vmem>>, vector<1x1x16xf32>,
      %get3A_586 = vector.shape_cast %get3A_585 : vector<1x1x16xf32> to vector<16xf32>
      %jit3A_587 = arith.constant 0.000000e+00 : f32
      %broadcast_in_dim3A_588 = vector.broadcast %jit3A_587 : f32 to vector<16xf32>
      %select_n3A_589 = arith.select %eq3A_413, %get3A_586, %broadcast_in_dim3A_588 : vector<16xi1>, vector<16xf32>
      %add3A_590 = arith.addf %add3A_579, %select_n3A_589 : vector<16xf32>
      %get3A_591 = arith.constant 0 : i32
      %get3A_592 = arith.constant 3 : i32
      %get3A_593 = arith.index_cast %get3A_591 : i32 to index
      %get3A_594 = arith.index_cast %get3A_592 : i32 to index
      %get3A_595 = arith.constant 48 : index
      %get3A_596 = tpu.vector_load %arg6[%get3A_593, %get3A_594, %get3A_595] {strides = array<i32>} : memref<1x5x64xf32, #tpu.memory_space<vmem>>, vector<1x1x16xf32>,
      %get3A_597 = vector.shape_cast %get3A_596 : vector<1x1x16xf32> to vector<16xf32>
      %jit3A_598 = arith.constant 0.000000e+00 : f32
      %broadcast_in_dim3A_599 = vector.broadcast %jit3A_598 : f32 to vector<16xf32>
      %select_n3A_600 = arith.select %eq3A_417, %get3A_597, %broadcast_in_dim3A_599 : vector<16xi1>, vector<16xf32>
      %add3A_601 = arith.addf %add3A_590, %select_n3A_600 : vector<16xf32>
      %or3A = arith.ori %eq3A_405, %eq3A_409 : vector<16xi1>
      %or3A_602 = arith.ori %eq3A_413, %eq3A_417 : vector<16xi1>
      %or3A_603 = arith.ori %or3A, %or3A_602 : vector<16xi1>
      %sub3A_604 = arith.subf %add3A_555, %add3A_463 : vector<16xf32>
      %sub3A_605 = arith.subf %add3A_601, %add3A_509 : vector<16xf32>
      %mul3A_606 = arith.constant 5.000000e-01 : f32
      %mul3A_607 = vector.broadcast %mul3A_606 : f32 to vector<16xf32>
      %mul3A_608 = arith.mulf %mul3A_607, %sub3A_604 : vector<16xf32>
      %add3A_609 = arith.addf %add3A_463, %mul3A_608 : vector<16xf32>
      %mul3A_610 = arith.constant 5.000000e-01 : f32
      %mul3A_611 = vector.broadcast %mul3A_610 : f32 to vector<16xf32>
      %mul3A_612 = arith.mulf %mul3A_611, %sub3A_605 : vector<16xf32>
      %add3A_613 = arith.addf %add3A_509, %mul3A_612 : vector<16xf32>
      %max3A_614 = arith.constant 1.000000e+00 : f32
      %max3A_615 = vector.broadcast %max3A_614 : f32 to vector<16xf32>
      %max3A_616 = arith.maximumf %sub3A_604, %max3A_615 : vector<16xf32>
      %max3A_617 = arith.constant 1.000000e+00 : f32
      %max3A_618 = vector.broadcast %max3A_617 : f32 to vector<16xf32>
      %max3A_619 = arith.maximumf %sub3A_605, %max3A_618 : vector<16xf32>
      %sub3A_620 = arith.subf %get3A_52, %get3A_38 : vector<16xf32>
      %sub3A_621 = arith.subf %get3A_59, %get3A_45 : vector<16xf32>
      %mul3A_622 = arith.constant 5.000000e-01 : f32
      %mul3A_623 = vector.broadcast %mul3A_622 : f32 to vector<16xf32>
      %mul3A_624 = arith.mulf %mul3A_623, %sub3A_620 : vector<16xf32>
      %add3A_625 = arith.addf %get3A_38, %mul3A_624 : vector<16xf32>
      %mul3A_626 = arith.constant 5.000000e-01 : f32
      %mul3A_627 = vector.broadcast %mul3A_626 : f32 to vector<16xf32>
      %mul3A_628 = arith.mulf %mul3A_627, %sub3A_621 : vector<16xf32>
      %add3A_629 = arith.addf %get3A_45, %mul3A_628 : vector<16xf32>
      %sub3A_630 = arith.subf %add3A_609, %add3A_625 : vector<16xf32>
      %div3A_631 = arith.divf %sub3A_630, %sub3A_620 : vector<16xf32>
      %div3A_632 = arith.constant 1.000000e-01 : f32
      %div3A_633 = vector.broadcast %div3A_632 : f32 to vector<16xf32>
      %div3A_634 = arith.divf %div3A_631, %div3A_633 : vector<16xf32>
      %sub3A_635 = arith.subf %add3A_613, %add3A_629 : vector<16xf32>
      %div3A_636 = arith.divf %sub3A_635, %sub3A_621 : vector<16xf32>
      %div3A_637 = arith.constant 1.000000e-01 : f32
      %div3A_638 = vector.broadcast %div3A_637 : f32 to vector<16xf32>
      %div3A_639 = arith.divf %div3A_636, %div3A_638 : vector<16xf32>
      %div3A_640 = arith.divf %max3A_616, %sub3A_620 : vector<16xf32>
      %bitcast_convert_type3A = tpu.bitcast %div3A_640 : vector<16xf32> -> vector<16xi32>
      %shift_right_arithmetic3A = arith.constant 23 : i32
      %shift_right_arithmetic3A_641 = vector.broadcast %shift_right_arithmetic3A : i32 to vector<16xi32>
      %shift_right_arithmetic3A_642 = arith.shrsi %bitcast_convert_type3A, %shift_right_arithmetic3A_641 : vector<16xi32>
      %and3A_643 = arith.constant 255 : i32
      %and3A_644 = vector.broadcast %and3A_643 : i32 to vector<16xi32>
      %and3A_645 = arith.andi %shift_right_arithmetic3A_642, %and3A_644 : vector<16xi32>
      %sub3A_646 = arith.constant 127 : i32
      %sub3A_647 = vector.broadcast %sub3A_646 : i32 to vector<16xi32>
      %sub3A_648 = arith.subi %and3A_645, %sub3A_647 : vector<16xi32>
      %and3A_649 = arith.constant 8388607 : i32
      %and3A_650 = vector.broadcast %and3A_649 : i32 to vector<16xi32>
      %and3A_651 = arith.andi %bitcast_convert_type3A, %and3A_650 : vector<16xi32>
      %or3A_652 = arith.constant 1065353216 : i32
      %or3A_653 = vector.broadcast %or3A_652 : i32 to vector<16xi32>
      %or3A_654 = arith.ori %and3A_651, %or3A_653 : vector<16xi32>
      %bitcast_convert_type3A_655 = tpu.bitcast %or3A_654 : vector<16xi32> -> vector<16xf32>
      %sub3A_656 = arith.constant 1.000000e+00 : f32
      %sub3A_657 = vector.broadcast %sub3A_656 : f32 to vector<16xf32>
      %sub3A_658 = arith.subf %bitcast_convert_type3A_655, %sub3A_657 : vector<16xf32>
      %add3A_659 = arith.constant 1.000000e+00 : f32
      %add3A_660 = vector.broadcast %add3A_659 : f32 to vector<16xf32>
      %add3A_661 = arith.addf %bitcast_convert_type3A_655, %add3A_660 : vector<16xf32>
      %div3A_662 = arith.divf %sub3A_658, %add3A_661 : vector<16xf32>
      %mul3A_663 = arith.mulf %div3A_662, %div3A_662 : vector<16xf32>
      %mul3A_664 = arith.constant 0.111111112 : f32
      %mul3A_665 = vector.broadcast %mul3A_664 : f32 to vector<16xf32>
      %mul3A_666 = arith.mulf %mul3A_663, %mul3A_665 : vector<16xf32>
      %add3A_667 = arith.constant 0.142857149 : f32
      %add3A_668 = vector.broadcast %add3A_667 : f32 to vector<16xf32>
      %add3A_669 = arith.addf %add3A_668, %mul3A_666 : vector<16xf32>
      %mul3A_670 = arith.mulf %mul3A_663, %add3A_669 : vector<16xf32>
      %add3A_671 = arith.constant 2.000000e-01 : f32
      %add3A_672 = vector.broadcast %add3A_671 : f32 to vector<16xf32>
      %add3A_673 = arith.addf %add3A_672, %mul3A_670 : vector<16xf32>
      %mul3A_674 = arith.mulf %mul3A_663, %add3A_673 : vector<16xf32>
      %add3A_675 = arith.constant 0.333333343 : f32
      %add3A_676 = vector.broadcast %add3A_675 : f32 to vector<16xf32>
      %add3A_677 = arith.addf %add3A_676, %mul3A_674 : vector<16xf32>
      %mul3A_678 = arith.mulf %mul3A_663, %add3A_677 : vector<16xf32>
      %add3A_679 = arith.constant 1.000000e+00 : f32
      %add3A_680 = vector.broadcast %add3A_679 : f32 to vector<16xf32>
      %add3A_681 = arith.addf %add3A_680, %mul3A_678 : vector<16xf32>
      %convert_element_type3A_682 = arith.sitofp %sub3A_648 : vector<16xi32> to vector<16xf32>
      %mul3A_683 = arith.constant 0.693147182 : f32
      %mul3A_684 = vector.broadcast %mul3A_683 : f32 to vector<16xf32>
      %mul3A_685 = arith.mulf %mul3A_684, %convert_element_type3A_682 : vector<16xf32>
      %mul3A_686 = arith.constant 2.000000e+00 : f32
      %mul3A_687 = vector.broadcast %mul3A_686 : f32 to vector<16xf32>
      %mul3A_688 = arith.mulf %mul3A_687, %div3A_662 : vector<16xf32>
      %mul3A_689 = arith.mulf %mul3A_688, %add3A_681 : vector<16xf32>
      %add3A_690 = arith.addf %mul3A_685, %mul3A_689 : vector<16xf32>
      %div3A_691 = arith.constant 2.000000e-01 : f32
      %div3A_692 = vector.broadcast %div3A_691 : f32 to vector<16xf32>
      %div3A_693 = arith.divf %add3A_690, %div3A_692 : vector<16xf32>
      %div3A_694 = arith.divf %max3A_619, %sub3A_621 : vector<16xf32>
      %bitcast_convert_type3A_695 = tpu.bitcast %div3A_694 : vector<16xf32> -> vector<16xi32>
      %shift_right_arithmetic3A_696 = arith.constant 23 : i32
      %shift_right_arithmetic3A_697 = vector.broadcast %shift_right_arithmetic3A_696 : i32 to vector<16xi32>
      %shift_right_arithmetic3A_698 = arith.shrsi %bitcast_convert_type3A_695, %shift_right_arithmetic3A_697 : vector<16xi32>
      %and3A_699 = arith.constant 255 : i32
      %and3A_700 = vector.broadcast %and3A_699 : i32 to vector<16xi32>
      %and3A_701 = arith.andi %shift_right_arithmetic3A_698, %and3A_700 : vector<16xi32>
      %sub3A_702 = arith.constant 127 : i32
      %sub3A_703 = vector.broadcast %sub3A_702 : i32 to vector<16xi32>
      %sub3A_704 = arith.subi %and3A_701, %sub3A_703 : vector<16xi32>
      %and3A_705 = arith.constant 8388607 : i32
      %and3A_706 = vector.broadcast %and3A_705 : i32 to vector<16xi32>
      %and3A_707 = arith.andi %bitcast_convert_type3A_695, %and3A_706 : vector<16xi32>
      %or3A_708 = arith.constant 1065353216 : i32
      %or3A_709 = vector.broadcast %or3A_708 : i32 to vector<16xi32>
      %or3A_710 = arith.ori %and3A_707, %or3A_709 : vector<16xi32>
      %bitcast_convert_type3A_711 = tpu.bitcast %or3A_710 : vector<16xi32> -> vector<16xf32>
      %sub3A_712 = arith.constant 1.000000e+00 : f32
      %sub3A_713 = vector.broadcast %sub3A_712 : f32 to vector<16xf32>
      %sub3A_714 = arith.subf %bitcast_convert_type3A_711, %sub3A_713 : vector<16xf32>
      %add3A_715 = arith.constant 1.000000e+00 : f32
      %add3A_716 = vector.broadcast %add3A_715 : f32 to vector<16xf32>
      %add3A_717 = arith.addf %bitcast_convert_type3A_711, %add3A_716 : vector<16xf32>
      %div3A_718 = arith.divf %sub3A_714, %add3A_717 : vector<16xf32>
      %mul3A_719 = arith.mulf %div3A_718, %div3A_718 : vector<16xf32>
      %mul3A_720 = arith.constant 0.111111112 : f32
      %mul3A_721 = vector.broadcast %mul3A_720 : f32 to vector<16xf32>
      %mul3A_722 = arith.mulf %mul3A_719, %mul3A_721 : vector<16xf32>
      %add3A_723 = arith.constant 0.142857149 : f32
      %add3A_724 = vector.broadcast %add3A_723 : f32 to vector<16xf32>
      %add3A_725 = arith.addf %add3A_724, %mul3A_722 : vector<16xf32>
      %mul3A_726 = arith.mulf %mul3A_719, %add3A_725 : vector<16xf32>
      %add3A_727 = arith.constant 2.000000e-01 : f32
      %add3A_728 = vector.broadcast %add3A_727 : f32 to vector<16xf32>
      %add3A_729 = arith.addf %add3A_728, %mul3A_726 : vector<16xf32>
      %mul3A_730 = arith.mulf %mul3A_719, %add3A_729 : vector<16xf32>
      %add3A_731 = arith.constant 0.333333343 : f32
      %add3A_732 = vector.broadcast %add3A_731 : f32 to vector<16xf32>
      %add3A_733 = arith.addf %add3A_732, %mul3A_730 : vector<16xf32>
      %mul3A_734 = arith.mulf %mul3A_719, %add3A_733 : vector<16xf32>
      %add3A_735 = arith.constant 1.000000e+00 : f32
      %add3A_736 = vector.broadcast %add3A_735 : f32 to vector<16xf32>
      %add3A_737 = arith.addf %add3A_736, %mul3A_734 : vector<16xf32>
      %convert_element_type3A_738 = arith.sitofp %sub3A_704 : vector<16xi32> to vector<16xf32>
      %mul3A_739 = arith.constant 0.693147182 : f32
      %mul3A_740 = vector.broadcast %mul3A_739 : f32 to vector<16xf32>
      %mul3A_741 = arith.mulf %mul3A_740, %convert_element_type3A_738 : vector<16xf32>
      %mul3A_742 = arith.constant 2.000000e+00 : f32
      %mul3A_743 = vector.broadcast %mul3A_742 : f32 to vector<16xf32>
      %mul3A_744 = arith.mulf %mul3A_743, %div3A_718 : vector<16xf32>
      %mul3A_745 = arith.mulf %mul3A_744, %add3A_737 : vector<16xf32>
      %add3A_746 = arith.addf %mul3A_741, %mul3A_745 : vector<16xf32>
      %div3A_747 = arith.constant 2.000000e-01 : f32
      %div3A_748 = vector.broadcast %div3A_747 : f32 to vector<16xf32>
      %div3A_749 = arith.divf %add3A_746, %div3A_748 : vector<16xf32>
      %get3A_750 = arith.constant 0 : i32
      %get3A_751 = arith.constant 0 : i32
      %get3A_752 = arith.constant 0 : i32
      %get3A_753 = arith.index_cast %get3A_750 : i32 to index
      %get3A_754 = arith.index_cast %get3A_751 : i32 to index
      %get3A_755 = arith.index_cast %get3A_752 : i32 to index
      %get3A_756 = arith.constant 0 : index
      %get3A_757 = tpu.vector_load %arg8[%get3A_753, %get3A_754, %get3A_755, %get3A_756] {strides = array<i32>} : memref<1x1x4x16xf32, #tpu.memory_space<vmem>>, vector<1x1x1x16xf32>,
      %get3A_758 = vector.shape_cast %get3A_757 : vector<1x1x1x16xf32> to vector<16xf32>
      %sub3A_759 = arith.subf %div3A_634, %get3A_758 : vector<16xf32>
      %abs3A = math.absf %sub3A_759 : vector<16xf32>
      %get3A_760 = arith.constant 0 : i32
      %get3A_761 = arith.constant 0 : i32
      %get3A_762 = arith.constant 1 : i32
      %get3A_763 = arith.index_cast %get3A_760 : i32 to index
      %get3A_764 = arith.index_cast %get3A_761 : i32 to index
      %get3A_765 = arith.index_cast %get3A_762 : i32 to index
      %get3A_766 = arith.constant 0 : index
      %get3A_767 = tpu.vector_load %arg8[%get3A_763, %get3A_764, %get3A_765, %get3A_766] {strides = array<i32>} : memref<1x1x4x16xf32, #tpu.memory_space<vmem>>, vector<1x1x1x16xf32>,
      %get3A_768 = vector.shape_cast %get3A_767 : vector<1x1x1x16xf32> to vector<16xf32>
      %sub3A_769 = arith.subf %div3A_639, %get3A_768 : vector<16xf32>
      %abs3A_770 = math.absf %sub3A_769 : vector<16xf32>
      %get3A_771 = arith.constant 0 : i32
      %get3A_772 = arith.constant 0 : i32
      %get3A_773 = arith.constant 2 : i32
      %get3A_774 = arith.index_cast %get3A_771 : i32 to index
      %get3A_775 = arith.index_cast %get3A_772 : i32 to index
      %get3A_776 = arith.index_cast %get3A_773 : i32 to index
      %get3A_777 = arith.constant 0 : index
      %get3A_778 = tpu.vector_load %arg8[%get3A_774, %get3A_775, %get3A_776, %get3A_777] {strides = array<i32>} : memref<1x1x4x16xf32, #tpu.memory_space<vmem>>, vector<1x1x1x16xf32>,
      %get3A_779 = vector.shape_cast %get3A_778 : vector<1x1x1x16xf32> to vector<16xf32>
      %sub3A_780 = arith.subf %div3A_693, %get3A_779 : vector<16xf32>
      %abs3A_781 = math.absf %sub3A_780 : vector<16xf32>
      %get3A_782 = arith.constant 0 : i32
      %get3A_783 = arith.constant 0 : i32
      %get3A_784 = arith.constant 3 : i32
      %get3A_785 = arith.index_cast %get3A_782 : i32 to index
      %get3A_786 = arith.index_cast %get3A_783 : i32 to index
      %get3A_787 = arith.index_cast %get3A_784 : i32 to index
      %get3A_788 = arith.constant 0 : index
      %get3A_789 = tpu.vector_load %arg8[%get3A_785, %get3A_786, %get3A_787, %get3A_788] {strides = array<i32>} : memref<1x1x4x16xf32, #tpu.memory_space<vmem>>, vector<1x1x1x16xf32>,
      %get3A_790 = vector.shape_cast %get3A_789 : vector<1x1x1x16xf32> to vector<16xf32>
      %sub3A_791 = arith.subf %div3A_749, %get3A_790 : vector<16xf32>
      %abs3A_792 = math.absf %sub3A_791 : vector<16xf32>
      %le3A = arith.constant 0.111111112 : f32
      %le3A_793 = vector.broadcast %le3A : f32 to vector<16xf32>
      %le3A_794 = arith.cmpf ole, %abs3A, %le3A_793 : vector<16xf32>
      %mul3A_795 = arith.constant 4.500000e+00 : f32
      %mul3A_796 = vector.broadcast %mul3A_795 : f32 to vector<16xf32>
      %mul3A_797 = arith.mulf %mul3A_796, %abs3A : vector<16xf32>
      %mul3A_798 = arith.mulf %mul3A_797, %abs3A : vector<16xf32>
      %sub3A_799 = arith.constant 0.055555556 : f32
      %sub3A_800 = vector.broadcast %sub3A_799 : f32 to vector<16xf32>
      %sub3A_801 = arith.subf %abs3A, %sub3A_800 : vector<16xf32>
      %select_n3A_802 = arith.select %le3A_794, %mul3A_798, %sub3A_801 : vector<16xi1>, vector<16xf32>
      %le3A_803 = arith.constant 0.111111112 : f32
      %le3A_804 = vector.broadcast %le3A_803 : f32 to vector<16xf32>
      %le3A_805 = arith.cmpf ole, %abs3A_770, %le3A_804 : vector<16xf32>
      %mul3A_806 = arith.constant 4.500000e+00 : f32
      %mul3A_807 = vector.broadcast %mul3A_806 : f32 to vector<16xf32>
      %mul3A_808 = arith.mulf %mul3A_807, %abs3A_770 : vector<16xf32>
      %mul3A_809 = arith.mulf %mul3A_808, %abs3A_770 : vector<16xf32>
      %sub3A_810 = arith.constant 0.055555556 : f32
      %sub3A_811 = vector.broadcast %sub3A_810 : f32 to vector<16xf32>
      %sub3A_812 = arith.subf %abs3A_770, %sub3A_811 : vector<16xf32>
      %select_n3A_813 = arith.select %le3A_805, %mul3A_809, %sub3A_812 : vector<16xi1>, vector<16xf32>
      %add3A_814 = arith.addf %select_n3A_802, %select_n3A_813 : vector<16xf32>
      %le3A_815 = arith.constant 0.111111112 : f32
      %le3A_816 = vector.broadcast %le3A_815 : f32 to vector<16xf32>
      %le3A_817 = arith.cmpf ole, %abs3A_781, %le3A_816 : vector<16xf32>
      %mul3A_818 = arith.constant 4.500000e+00 : f32
      %mul3A_819 = vector.broadcast %mul3A_818 : f32 to vector<16xf32>
      %mul3A_820 = arith.mulf %mul3A_819, %abs3A_781 : vector<16xf32>
      %mul3A_821 = arith.mulf %mul3A_820, %abs3A_781 : vector<16xf32>
      %sub3A_822 = arith.constant 0.055555556 : f32
      %sub3A_823 = vector.broadcast %sub3A_822 : f32 to vector<16xf32>
      %sub3A_824 = arith.subf %abs3A_781, %sub3A_823 : vector<16xf32>
      %select_n3A_825 = arith.select %le3A_817, %mul3A_821, %sub3A_824 : vector<16xi1>, vector<16xf32>
      %add3A_826 = arith.addf %add3A_814, %select_n3A_825 : vector<16xf32>
      %le3A_827 = arith.constant 0.111111112 : f32
      %le3A_828 = vector.broadcast %le3A_827 : f32 to vector<16xf32>
      %le3A_829 = arith.cmpf ole, %abs3A_792, %le3A_828 : vector<16xf32>
      %mul3A_830 = arith.constant 4.500000e+00 : f32
      %mul3A_831 = vector.broadcast %mul3A_830 : f32 to vector<16xf32>
      %mul3A_832 = arith.mulf %mul3A_831, %abs3A_792 : vector<16xf32>
      %mul3A_833 = arith.mulf %mul3A_832, %abs3A_792 : vector<16xf32>
      %sub3A_834 = arith.constant 0.055555556 : f32
      %sub3A_835 = vector.broadcast %sub3A_834 : f32 to vector<16xf32>
      %sub3A_836 = arith.subf %abs3A_792, %sub3A_835 : vector<16xf32>
      %select_n3A_837 = arith.select %le3A_829, %mul3A_833, %sub3A_836 : vector<16xi1>, vector<16xf32>
      %add3A_838 = arith.addf %add3A_826, %select_n3A_837 : vector<16xf32>
      %jit3A_839 = arith.constant 0.000000e+00 : f32
      %broadcast_in_dim3A_840 = vector.broadcast %jit3A_839 : f32 to vector<16xf32>
      %select_n3A_841 = arith.select %or3A_603, %add3A_838, %broadcast_in_dim3A_840 : vector<16xi1>, vector<16xf32>
      %xor3A_842 = arith.constant 8 : i32
      %xor3A_843 = vector.broadcast %xor3A_842 : i32 to vector<16xi32>
      %xor3A_844 = arith.xori %iota3A, %xor3A_843 : vector<16xi32>
      %broadcast_in_dim3A_845 = vector.shape_cast %xor3A_844 : vector<16xi32> to vector<16x1xi32>
      %gather3A_846 = vector.shape_cast %broadcast_in_dim3A_845 : vector<16x1xi32> to vector<16xi32>
      %gather3A_847 = tpu.dynamic_gather %select_n3A_841[%gather3A_846] in [0] : vector<16xf32>, vector<16xi32> -> vector<16xf32>
      %add3A_848 = arith.addf %select_n3A_841, %gather3A_847 : vector<16xf32>
      %xor3A_849 = arith.constant 4 : i32
      %xor3A_850 = vector.broadcast %xor3A_849 : i32 to vector<16xi32>
      %xor3A_851 = arith.xori %iota3A, %xor3A_850 : vector<16xi32>
      %broadcast_in_dim3A_852 = vector.shape_cast %xor3A_851 : vector<16xi32> to vector<16x1xi32>
      %gather3A_853 = vector.shape_cast %broadcast_in_dim3A_852 : vector<16x1xi32> to vector<16xi32>
      %gather3A_854 = tpu.dynamic_gather %add3A_848[%gather3A_853] in [0] : vector<16xf32>, vector<16xi32> -> vector<16xf32>
      %add3A_855 = arith.addf %add3A_848, %gather3A_854 : vector<16xf32>
      %xor3A_856 = arith.constant 2 : i32
      %xor3A_857 = vector.broadcast %xor3A_856 : i32 to vector<16xi32>
      %xor3A_858 = arith.xori %iota3A, %xor3A_857 : vector<16xi32>
      %broadcast_in_dim3A_859 = vector.shape_cast %xor3A_858 : vector<16xi32> to vector<16x1xi32>
      %gather3A_860 = vector.shape_cast %broadcast_in_dim3A_859 : vector<16x1xi32> to vector<16xi32>
      %gather3A_861 = tpu.dynamic_gather %add3A_855[%gather3A_860] in [0] : vector<16xf32>, vector<16xi32> -> vector<16xf32>
      %add3A_862 = arith.addf %add3A_855, %gather3A_861 : vector<16xf32>
      %xor3A_863 = arith.constant 1 : i32
      %xor3A_864 = vector.broadcast %xor3A_863 : i32 to vector<16xi32>
      %xor3A_865 = arith.xori %iota3A, %xor3A_864 : vector<16xi32>
      %broadcast_in_dim3A_866 = vector.shape_cast %xor3A_865 : vector<16xi32> to vector<16x1xi32>
      %gather3A_867 = vector.shape_cast %broadcast_in_dim3A_866 : vector<16x1xi32> to vector<16xi32>
      %gather3A_868 = tpu.dynamic_gather %add3A_862[%gather3A_867] in [0] : vector<16xf32>, vector<16xi32> -> vector<16xf32>
      %add3A_869 = arith.addf %add3A_862, %gather3A_868 : vector<16xf32>
      %swap3A = arith.constant 0 : i32
      %swap3A_870 = arith.index_cast %swap3A : i32 to index
      %swap3A_871 = arith.constant 0 : index
      %swap3A_872 = tpu.vector_load %arg9[%swap3A_870, %swap3A_871] {strides = array<i32>} : memref<1x16xf32, #tpu.memory_space<vmem>>, vector<1x16xf32>,
      %swap3A_873 = vector.shape_cast %swap3A_872 : vector<1x16xf32> to vector<16xf32>
      %swap3A_874 = vector.shape_cast %add3A_869 : vector<16xf32> to vector<1x16xf32>
      tpu.vector_store %arg9[%swap3A_870, %swap3A_871], %swap3A_874 {strides = array<i32>} : memref<1x16xf32, #tpu.memory_space<vmem>>, vector<1x16xf32>,
      "tpu.region"() ({
        %run_scoped3A = tpu.sem_alloc : memref<!tpu.dma_semaphore, #tpu.memory_space<semaphore_mem>>
        %dma_start3A = arith.constant 0 : i32
        %dma_start3A_875 = tpu.memref_slice %arg5[%add3A, %dma_start3A] : memref<16x16xf32, #tpu.memory_space<hbm>> -> memref<1x16xf32, #tpu.memory_space<hbm>>
        %dma_start3A_876 = arith.constant 0 : i32
        %dma_start3A_877 = tpu.memref_slice %arg5[%add3A, %dma_start3A_876] : memref<16x16xf32, #tpu.memory_space<hbm>> -> memref<1x16xf32, #tpu.memory_space<hbm>>
        tpu.enqueue_dma source(%arg9 : memref<1x16xf32, #tpu.memory_space<vmem>>) target(%dma_start3A_877 : memref<1x16xf32, #tpu.memory_space<hbm>>) target_semaphore(%run_scoped3A : memref<!tpu.dma_semaphore, #tpu.memory_space<semaphore_mem>>)
        %dma_wait3A = arith.constant 0 : i32
        %dma_wait3A_878 = tpu.memref_slice %arg5[%add3A, %dma_wait3A] : memref<16x16xf32, #tpu.memory_space<hbm>> -> memref<1x16xf32, #tpu.memory_space<hbm>>
        %dma_wait3A_879 = arith.constant 0 : i32
        %dma_wait3A_880 = tpu.memref_slice %arg5[%add3A, %dma_wait3A_879] : memref<16x16xf32, #tpu.memory_space<hbm>> -> memref<1x16xf32, #tpu.memory_space<hbm>>
        tpu.wait_dma2 semaphore(%run_scoped3A : memref<!tpu.dma_semaphore, #tpu.memory_space<semaphore_mem>>) src(%arg9 : memref<1x16xf32, #tpu.memory_space<vmem>>) dst(%dma_wait3A_880 : memref<1x16xf32, #tpu.memory_space<hbm>>)
        tpu.yield
      }) : () -> ()
    } else {
    }
    return
  }
}

module attributes {stable_mosaic.version = 14 : i64} {
  func.func @_count_kernel(%arg0: i32, %arg1: i32, %arg2: memref<4x51200xbf16, #tpu.memory_space<vmem>>, %arg3: memref<1x64x5xbf16, #tpu.memory_space<vmem>>, %arg4: memref<16x16xf32, #tpu.memory_space<vmem>>, %arg5: memref<1x1xf32, #tpu.memory_space<vmem>>, %arg6: memref<1x1xf32, #tpu.memory_space<vmem>>) attributes {dimension_semantics = [#tpu.dimension_semantics<arbitrary>, #tpu.dimension_semantics<arbitrary>], iteration_bounds = array<i64: 8, 1>, scalar_prefetch = 0 : i64, scratch_operands = 1 : i64, tpu.core_type = #tpu.core_type<tc>, window_params = [{transform_indices = @transform_0, window_bounds = array<i64: 4, 51200>}, {transform_indices = @transform_1, window_bounds = array<i64: 1, 64, 5>}, {pipeline_mode = #tpu.pipeline_mode<synchronous>, transform_indices = @transform_2, window_bounds = array<i64: 16, 16>}, {pipeline_mode = #tpu.pipeline_mode<synchronous>, transform_indices = @transform_3, window_bounds = array<i64: 1, 1>}]} {
    %get3A = arith.constant 0 : index
    %get3A_0 = arith.constant 0 : index
    %get3A_1 = arith.constant 0 : index
    %get3A_2 = vector.load %arg3[%get3A, %get3A_0, %get3A_1] : memref<1x64x5xbf16, #tpu.memory_space<vmem>>, vector<1x64x1xbf16>
    %get3A_3 = vector.shape_cast %get3A_2 : vector<1x64x1xbf16> to vector<64x1xbf16>
    %get3A_4 = arith.constant 0 : index
    %get3A_5 = arith.constant 0 : index
    %get3A_6 = arith.constant 1 : index
    %get3A_7 = vector.load %arg3[%get3A_4, %get3A_5, %get3A_6] : memref<1x64x5xbf16, #tpu.memory_space<vmem>>, vector<1x64x1xbf16>
    %get3A_8 = vector.shape_cast %get3A_7 : vector<1x64x1xbf16> to vector<64x1xbf16>
    %get3A_9 = arith.constant 0 : index
    %get3A_10 = arith.constant 0 : index
    %get3A_11 = arith.constant 2 : index
    %get3A_12 = vector.load %arg3[%get3A_9, %get3A_10, %get3A_11] : memref<1x64x5xbf16, #tpu.memory_space<vmem>>, vector<1x64x1xbf16>
    %get3A_13 = vector.shape_cast %get3A_12 : vector<1x64x1xbf16> to vector<64x1xbf16>
    %get3A_14 = arith.constant 0 : index
    %get3A_15 = arith.constant 0 : index
    %get3A_16 = arith.constant 3 : index
    %get3A_17 = vector.load %arg3[%get3A_14, %get3A_15, %get3A_16] : memref<1x64x5xbf16, #tpu.memory_space<vmem>>, vector<1x64x1xbf16>
    %get3A_18 = vector.shape_cast %get3A_17 : vector<1x64x1xbf16> to vector<64x1xbf16>
    %sub3A = arith.subf %get3A_13, %get3A_3 : vector<64x1xbf16>
    %sub3A_19 = arith.subf %get3A_18, %get3A_8 : vector<64x1xbf16>
    %mul3A = arith.mulf %sub3A, %sub3A_19 : vector<64x1xbf16>
    %mul3A_20 = arith.constant 3.339840e-01 : bf16
    %mul3A_21 = vector.broadcast %mul3A_20 : bf16 to vector<64x1xbf16>
    %mul3A_22 = arith.mulf %mul3A, %mul3A_21 : vector<64x1xbf16>
    %get3A_23 = arith.constant 0 : index
    %get3A_24 = arith.constant 0 : index
    %get3A_25 = vector.load %arg2[%get3A_23, %get3A_24] : memref<4x51200xbf16, #tpu.memory_space<vmem>>, vector<1x51200xbf16>
    %get3A_26 = arith.constant 1 : index
    %get3A_27 = arith.constant 0 : index
    %get3A_28 = vector.load %arg2[%get3A_26, %get3A_27] : memref<4x51200xbf16, #tpu.memory_space<vmem>>, vector<1x51200xbf16>
    %get3A_29 = arith.constant 2 : index
    %get3A_30 = arith.constant 0 : index
    %get3A_31 = vector.load %arg2[%get3A_29, %get3A_30] : memref<4x51200xbf16, #tpu.memory_space<vmem>>, vector<1x51200xbf16>
    %get3A_32 = arith.constant 3 : index
    %get3A_33 = arith.constant 0 : index
    %get3A_34 = vector.load %arg2[%get3A_32, %get3A_33] : memref<4x51200xbf16, #tpu.memory_space<vmem>>, vector<1x51200xbf16>
    %sub3A_35 = arith.subf %get3A_31, %get3A_25 : vector<1x51200xbf16>
    %sub3A_36 = arith.subf %get3A_34, %get3A_28 : vector<1x51200xbf16>
    %mul3A_37 = arith.mulf %sub3A_35, %sub3A_36 : vector<1x51200xbf16>
    %mul3A_38 = arith.constant 3.339840e-01 : bf16
    %mul3A_39 = vector.broadcast %mul3A_38 : bf16 to vector<1x51200xbf16>
    %mul3A_40 = arith.mulf %mul3A_37, %mul3A_39 : vector<1x51200xbf16>
    %min3A = vector.broadcast %get3A_31 : vector<1x51200xbf16> to vector<64x51200xbf16>
    %min3A_41 = vector.broadcast %get3A_13 : vector<64x1xbf16> to vector<64x51200xbf16>
    %min3A_42 = arith.minimumf %min3A, %min3A_41 : vector<64x51200xbf16>
    %max3A = vector.broadcast %get3A_25 : vector<1x51200xbf16> to vector<64x51200xbf16>
    %max3A_43 = vector.broadcast %get3A_3 : vector<64x1xbf16> to vector<64x51200xbf16>
    %max3A_44 = arith.maximumf %max3A, %max3A_43 : vector<64x51200xbf16>
    %sub3A_45 = arith.subf %min3A_42, %max3A_44 : vector<64x51200xbf16>
    %max3A_46 = arith.constant 0.000000e+00 : bf16
    %max3A_47 = vector.broadcast %max3A_46 : bf16 to vector<64x51200xbf16>
    %max3A_48 = arith.maximumf %sub3A_45, %max3A_47 : vector<64x51200xbf16>
    %min3A_49 = vector.broadcast %get3A_34 : vector<1x51200xbf16> to vector<64x51200xbf16>
    %min3A_50 = vector.broadcast %get3A_18 : vector<64x1xbf16> to vector<64x51200xbf16>
    %min3A_51 = arith.minimumf %min3A_49, %min3A_50 : vector<64x51200xbf16>
    %max3A_52 = vector.broadcast %get3A_28 : vector<1x51200xbf16> to vector<64x51200xbf16>
    %max3A_53 = vector.broadcast %get3A_8 : vector<64x1xbf16> to vector<64x51200xbf16>
    %max3A_54 = arith.maximumf %max3A_52, %max3A_53 : vector<64x51200xbf16>
    %sub3A_55 = arith.subf %min3A_51, %max3A_54 : vector<64x51200xbf16>
    %mul3A_56 = arith.mulf %max3A_48, %sub3A_55 : vector<64x51200xbf16>
    %sub3A_57 = vector.broadcast %mul3A_22 : vector<64x1xbf16> to vector<64x51200xbf16>
    %sub3A_58 = arith.subf %mul3A_56, %sub3A_57 : vector<64x51200xbf16>
    %reduce_max3A = arith.constant dense<0xFF80> : vector<51200xbf16>
    %reduce_max3A_59 = vector.multi_reduction <maximumf>, %sub3A_58, %reduce_max3A [0] : vector<64x51200xbf16> to vector<51200xbf16>
    %broadcast_in_dim3A = vector.shape_cast %reduce_max3A_59 : vector<51200xbf16> to vector<1x51200xbf16>
    %ge3A = arith.cmpf oge, %broadcast_in_dim3A, %mul3A_40 : vector<1x51200xbf16>
    %convert_element_type3A = arith.extui %ge3A : vector<1x51200xi1> to vector<1x51200xi32>
    %convert_element_type3A_60 = arith.sitofp %convert_element_type3A : vector<1x51200xi32> to vector<1x51200xf32>
    %reduce_sum3A = vector.shape_cast %convert_element_type3A_60 : vector<1x51200xf32> to vector<1x1x51200xf32>
    %reduce_sum3A_61 = arith.constant dense<0.000000e+00> : vector<1xf32>
    %reduce_sum3A_62 = vector.multi_reduction <add>, %reduce_sum3A, %reduce_sum3A_61 [1, 2] : vector<1x1x51200xf32> to vector<1xf32>
    %reduce_sum3A_63 = vector.shape_cast %reduce_sum3A_62 : vector<1xf32> to vector<1x1x1xf32>
    %reduce_sum3A_64 = vector.extract %reduce_sum3A_63[0, 0, 0] : f32 from vector<1x1x1xf32>
    %reshape3A = vector.broadcast %reduce_sum3A_64 : f32 to vector<1x1xf32>
    %eq3A = arith.constant 0 : i32
    %eq3A_65 = arith.cmpi eq, %arg1, %eq3A : i32
    %convert_element_type3A_66 = arith.extui %eq3A_65 : i1 to i32
    %cond3A = arith.constant 0 : i32
    %cond3A_67 = arith.cmpi ne, %convert_element_type3A_66, %cond3A : i32
    scf.if %cond3A_67 {
      %swap3A = arith.constant 0 : index
      %swap3A_84 = arith.constant 0 : index
      %swap3A_85 = vector.load %arg6[%swap3A, %swap3A_84] : memref<1x1xf32, #tpu.memory_space<vmem>>, vector<1x1xf32>
      tpu.vector_store %arg6[%swap3A, %swap3A_84], %reshape3A {strides = array<i32>} : memref<1x1xf32, #tpu.memory_space<vmem>>, vector<1x1xf32>,
    } else {
    }
    %gt3A = arith.constant 0 : i32
    %gt3A_68 = arith.cmpi sgt, %arg1, %gt3A : i32
    %convert_element_type3A_69 = arith.extui %gt3A_68 : i1 to i32
    %cond3A_70 = arith.constant 0 : i32
    %cond3A_71 = arith.cmpi ne, %convert_element_type3A_69, %cond3A_70 : i32
    scf.if %cond3A_71 {
      %get3A_84 = arith.constant 0 : index
      %get3A_85 = arith.constant 0 : index
      %get3A_86 = vector.load %arg6[%get3A_84, %get3A_85] : memref<1x1xf32, #tpu.memory_space<vmem>>, vector<1x1xf32>
      %add3A = arith.addf %get3A_86, %reshape3A : vector<1x1xf32>
      %swap3A = arith.constant 0 : index
      %swap3A_87 = arith.constant 0 : index
      %swap3A_88 = vector.load %arg6[%swap3A, %swap3A_87] : memref<1x1xf32, #tpu.memory_space<vmem>>, vector<1x1xf32>
      tpu.vector_store %arg6[%swap3A, %swap3A_87], %add3A {strides = array<i32>} : memref<1x1xf32, #tpu.memory_space<vmem>>, vector<1x1xf32>,
    } else {
    }
    %eq3A_72 = arith.constant 0 : i32
    %eq3A_73 = arith.cmpi eq, %arg0, %eq3A_72 : i32
    %eq3A_74 = arith.constant 0 : i32
    %eq3A_75 = arith.cmpi eq, %arg1, %eq3A_74 : i32
    %and3A = arith.andi %eq3A_73, %eq3A_75 : i1
    %convert_element_type3A_76 = arith.extui %and3A : i1 to i32
    %cond3A_77 = arith.constant 0 : i32
    %cond3A_78 = arith.cmpi ne, %convert_element_type3A_76, %cond3A_77 : i32
    scf.if %cond3A_78 {
      %broadcast_in_dim3A_84 = arith.constant 0.000000e+00 : f32
      %broadcast_in_dim3A_85 = vector.broadcast %broadcast_in_dim3A_84 : f32 to vector<1x1xf32>
      %swap3A = arith.constant 0 : index
      %swap3A_86 = arith.constant 0 : index
      %swap3A_87 = vector.load %arg5[%swap3A, %swap3A_86] : memref<1x1xf32, #tpu.memory_space<vmem>>, vector<1x1xf32>
      tpu.vector_store %arg5[%swap3A, %swap3A_86], %broadcast_in_dim3A_85 {strides = array<i32>} : memref<1x1xf32, #tpu.memory_space<vmem>>, vector<1x1xf32>,
    } else {
    }
    %eq3A_79 = arith.constant 0 : i32
    %eq3A_80 = arith.cmpi eq, %arg1, %eq3A_79 : i32
    %convert_element_type3A_81 = arith.extui %eq3A_80 : i1 to i32
    %cond3A_82 = arith.constant 0 : i32
    %cond3A_83 = arith.cmpi ne, %convert_element_type3A_81, %cond3A_82 : i32
    scf.if %cond3A_83 {
      %get3A_84 = arith.constant 0 : index
      %get3A_85 = arith.constant 0 : index
      %get3A_86 = vector.load %arg6[%get3A_84, %get3A_85] : memref<1x1xf32, #tpu.memory_space<vmem>>, vector<1x1xf32>
      %get3A_87 = arith.index_cast %arg0 : i32 to index
      %get3A_88 = arith.constant 0 : index
      %get3A_89 = vector.load %arg4[%get3A_87, %get3A_88] : memref<16x16xf32, #tpu.memory_space<vmem>>, vector<1x1xf32>
      %add3A = arith.constant 8 : i32
      %add3A_90 = arith.addi %arg0, %add3A : i32
      %get3A_91 = arith.index_cast %add3A_90 : i32 to index
      %get3A_92 = arith.constant 0 : index
      %get3A_93 = vector.load %arg4[%get3A_91, %get3A_92] : memref<16x16xf32, #tpu.memory_space<vmem>>, vector<1x1xf32>
      %sub3A_94 = arith.constant 5.000000e+04 : f32
      %sub3A_95 = vector.broadcast %sub3A_94 : f32 to vector<1x1xf32>
      %sub3A_96 = arith.subf %sub3A_95, %get3A_86 : vector<1x1xf32>
      %mul3A_97 = arith.mulf %sub3A_96, %get3A_89 : vector<1x1xf32>
      %mul3A_98 = arith.mulf %get3A_86, %get3A_93 : vector<1x1xf32>
      %add3A_99 = arith.addf %mul3A_97, %mul3A_98 : vector<1x1xf32>
      %mul3A_100 = arith.constant 4.000000e+00 : f32
      %mul3A_101 = arith.constant 5.000000e+04 : f32
      %mul3A_102 = arith.mulf %mul3A_100, %mul3A_101 : f32
      %div3A = vector.broadcast %mul3A_102 : f32 to vector<1x1xf32>
      %div3A_103 = arith.divf %add3A_99, %div3A : vector<1x1xf32>
      %gt3A_104 = arith.constant 0.000000e+00 : f32
      %gt3A_105 = vector.broadcast %gt3A_104 : f32 to vector<1x1xf32>
      %gt3A_106 = arith.cmpf ogt, %get3A_86, %gt3A_105 : vector<1x1xf32>
      %jit3A = arith.constant 0.000000e+00 : f32
      %broadcast_in_dim3A_107 = vector.broadcast %jit3A : f32 to vector<1x1xf32>
      %select_n3A = arith.select %gt3A_106, %div3A_103, %broadcast_in_dim3A_107 : vector<1x1xi1>, vector<1x1xf32>
      %get3A_108 = arith.constant 0 : index
      %get3A_109 = arith.constant 0 : index
      %get3A_110 = vector.load %arg5[%get3A_108, %get3A_109] : memref<1x1xf32, #tpu.memory_space<vmem>>, vector<1x1xf32>
      %div3A_111 = arith.constant 8.000000e+00 : f32
      %div3A_112 = vector.broadcast %div3A_111 : f32 to vector<1x1xf32>
      %div3A_113 = arith.divf %select_n3A, %div3A_112 : vector<1x1xf32>
      %add3A_114 = arith.addf %get3A_110, %div3A_113 : vector<1x1xf32>
      %swap3A = arith.constant 0 : index
      %swap3A_115 = arith.constant 0 : index
      %swap3A_116 = vector.load %arg5[%swap3A, %swap3A_115] : memref<1x1xf32, #tpu.memory_space<vmem>>, vector<1x1xf32>
      tpu.vector_store %arg5[%swap3A, %swap3A_115], %add3A_114 {strides = array<i32>} : memref<1x1xf32, #tpu.memory_space<vmem>>, vector<1x1xf32>,
    } else {
    }
    return
  }
  func.func @transform_0(%arg0: i32, %arg1: i32) -> (i32, i32) {
    %c0_i32 = arith.constant 0 : i32
    %c0_i32_0 = arith.constant 0 : i32
    return %c0_i32, %arg1 : i32, i32
  }
  func.func @transform_1(%arg0: i32, %arg1: i32) -> (i32, i32, i32) {
    %c0_i32 = arith.constant 0 : i32
    %c0_i32_0 = arith.constant 0 : i32
    %c0_i32_1 = arith.constant 0 : i32
    return %arg0, %c0_i32, %c0_i32_0 : i32, i32, i32
  }
  func.func @transform_2(%arg0: i32, %arg1: i32) -> (i32, i32) {
    %c0_i32 = arith.constant 0 : i32
    %c0_i32_0 = arith.constant 0 : i32
    %c0_i32_1 = arith.constant 0 : i32
    return %c0_i32, %c0_i32_0 : i32, i32
  }
  func.func @transform_3(%arg0: i32, %arg1: i32) -> (i32, i32) {
    %c0_i32 = arith.constant 0 : i32
    %c0_i32_0 = arith.constant 0 : i32
    %c0_i32_1 = arith.constant 0 : i32
    return %c0_i32, %c0_i32_0 : i32, i32
  }
}

</mosaic_0001>

<sc_bundles>
// kernel: kernel.4.cloned.1.call-start
scs
__scs_entry_jumppad:
0x0: {  	(pc) =	sbr.rel $0x88, $3  }
0x1: {  	(tag) =	ssettag $0x0;
	lr =	simm.s32 $0x1  }
0x2: {  	[smem:$0x3F9E] =	sst lr;
	_ =	strace $0xD0000000  }
0x3: {  	_ = 	snop  }
0x4: {  	_ = 	snop  }
0x5: {  	_ = 	snop  }
0x6: {  	_ = 	snop  }
0x7: {  	_ = 	snop  }
__scs_overlays_trampoline_lowered:
0x8: {  	[smem:$0x3FAD] =	sst s0  }
0x9: {  	[smem:$0x3FAE] =	sst s1  }
0xa: {  	[smem:$0x3FAF] =	sst s2  }
0xb: {  	[smem:$0x3FB0] =	sst s3  }
0xc: {  	[smem:$0x3FB1] =	sst s4  }
0xd: {  	[smem:$0x3FB2] =	sst s5  }
0xe: {  	[smem:$0x3FB3] =	sst s6  }
0xf: {  	[smem:$0x3FB4] =	sst s7  }
0x10: {  	[smem:$0x3FB5] =	sst s8  }
0x11: {  	[smem:$0x3FB6] =	sst s9;
	s0 =	simm.s32 @!p0 $0x0  }
0x12: {  	s1 =	sld [smem:$0x3F9C];
	s0 =	simm.s32 @p0 $0x1  }
0x13: {  	[smem:$0x3FB7] =	sst s0;
	s0 =	simm.s32 @!p1 $0x0  }
0x14: {  	s2 =	sld [smem:$0x3F9B];
	s0 =	simm.s32 @p1 $0x1  }
0x15: {  	[smem:$0x3FB8] =	sst s0;
	s0 =	simm.s32 @!p2 $0x0  }
0x16: {  	s3 =	sld [smem:$0x3FDB];
	s0 =	simm.s32 @p2 $0x1  }
0x17: {  	s4 =	simm.s32 $0x1BF5;
	[smem:$0x3FBA] =	sst s0  }
0x18: {  	s0 =	sld [smem:$0x3F9D];
	_ =	swait.ge [sflag:s4], $0x0  }
0x19: {  	s7 =	sld [smem:$0x3F9E]  }
0x1a: {  	s8 =	sadd.s32 $0xFFFFE003, lr  }
0x1b: {  	s9 =	sadd.s32 $0xFFFFFEF7, lr;
	s5 =	simm.s32 $0xFFFFFFFF;
	p2 =	slt.u32 s8, $0xFFFFF086  }
0x1c: {  	p1 =	slt.u32 s9, $0xF7A;
	s5 =	simm.s32 @!p2 $0x0  }
0x1d: {  	s5 =	simm.s32 @p1 $0x1;
	p0 =	seq.s32 s7, s2  }
0x1e: {  	s7 =	smul.u32 @!p0 $0xF7A, s2;
	p2 =	seq.s32 @!p0 s5, $0x0  }
0x1f: {  	s9 =	smul.u32 $0xF7A, s1;
	s8 =	simm.s32 @!p0 $0x1BF5;
	p2 =	por !p2, p0  }
0x20: {  	[sflag:s8] =	ssyncset.s32 @!p0 $0xFFFFF086;
	s6 =	sadd.s32 @!p0 s3, s7;
	s7 =	simm.s32 @!p0 $0x108  }
0x21: {  	s3 =	sadd.s32 s3, s9;
	s6 =	sadd.s32 @!p0 $0x88, s6;
	s7 =	simm.s32 @p2 $0x1082  }
0x22: {  	[simem:s7], [sflag:s8] =	dma.local @!p0 [hbm:s6], $0xF7A  }
0x23: {  	s9 =	sor.u32 $0xD0000000, s2;
	s6 =	simm.s32 $0x108;
	_ =	swait.ge @!p0 [sflag:s8], $0x0  }
0x24: {  	s3 =	sadd.s32 $0x88, s3;
	s6 =	simm.s32 @!p1 $0x1082;
	[sflag:s4] =	ssyncset.s32 $0xFFFFF086  }
0x25: {  	[simem:s6], [sflag:s4] =	dma.local [hbm:s3], $0xF7A  }
0x26: {  	[smem:$0x3F9E] =	sst s1;
	(tag) =	ssettag s2;
	_ =	strace s9  }
0x27: {  	s1 =	sld [smem:$0x3FAE]  }
0x28: {  	s2 =	sld [smem:$0x3FAF]  }
0x29: {  	s4 =	sld [smem:$0x3FB1]  }
0x2a: {  	p0 =	seq.s32 s5, $0x0;
	s5 =	sld [smem:$0x3FB2]  }
0x2b: {  	s6 =	sld [smem:$0x3FB3]  }
0x2c: {  	s7 =	sld [smem:$0x3FB4]  }
0x2d: {  	s3 =	simm.s32 $0x108;
	s8 =	sld [smem:$0x3FB5]  }
0x2e: {  	s3 =	simm.s32 @!p0 $0x1082;
	s9 =	sld [smem:$0x3FB6]  }
0x2f: {  	lr =	sadd.s32 s0, s3;
	s0 =	sld [smem:$0x3FAD]  }
0x30: {  	s3 =	sld [smem:$0x3FB0]  }
0x31: {  	[smem:$0x3FB9] =	sst s10  }
0x32: {  	s10 =	sld [smem:$0x3FB7];
	_ =	sdelay $0x3  }
0x33: {  	p0 =	seq.s32 s10, $0x1;
	s10 =	sld [smem:$0x3FB9];
	_ =	sdelay $0x3  }
0x34: {  	[smem:$0x3FB9] =	sst s10  }
0x35: {  	s10 =	sld [smem:$0x3FB8];
	_ =	sdelay $0x3  }
0x36: {  	p1 =	seq.s32 s10, $0x1;
	s10 =	sld [smem:$0x3FB9];
	_ =	sdelay $0x3  }
0x37: {  	[smem:$0x3FB9] =	sst s10  }
0x38: {  	s10 =	sld [smem:$0x3FBA]  }
0x39: {  	_ = 	snop;
	(pc) =	sbr.ind lr, $3  }
0x3a: {  	_ = 	snop  }
0x3b: {  	_ = 	snop  }
0x3c: {  	p2 =	seq.s32 s10, $0x1;
	s10 =	sld [smem:$0x3FB9]  }
0x3d: {  	_ =	shalt  }
0x3e: {  	_ =	shalt  }
0x3f: {  	_ =	shalt  }
0x40: {  	_ =	shalt  }
0x41: {  	_ =	shalt  }
0x42: {  	_ =	shalt  }
0x43: {  	_ =	shalt  }
0x44: {  	_ =	shalt  }
0x45: {  	_ =	shalt  }
0x46: {  	_ =	shalt  }
0x47: {  	_ =	shalt  }
0x48: {  	_ =	shalt  }
0x49: {  	_ =	shalt  }
0x4a: {  	_ =	shalt  }
0x4b: {  	_ =	shalt  }
0x4c: {  	_ =	shalt  }
0x4d: {  	_ =	shalt  }
0x4e: {  	_ =	shalt  }
0x4f: {  	_ =	shalt  }
0x50: {  	_ =	shalt  }
0x51: {  	_ =	shalt  }
0x52: {  	_ =	shalt  }
0x53: {  	_ =	shalt  }
0x54: {  	_ =	shalt  }
0x55: {  	_ =	shalt  }
0x56: {  	_ =	shalt  }
0x57: {  	_ =	shalt  }
0x58: {  	_ =	shalt  }
0x59: {  	_ =	shalt  }
0x5a: {  	_ =	shalt  }
0x5b: {  	_ =	shalt  }
0x5c: {  	_ =	shalt  }
0x5d: {  	_ =	shalt  }
0x5e: {  	_ =	shalt  }
0x5f: {  	_ =	shalt  }
0x60: {  	_ =	shalt  }
0x61: {  	_ =	shalt  }
0x62: {  	_ =	shalt  }
0x63: {  	_ =	shalt  }
0x64: {  	_ =	shalt  }
0x65: {  	_ =	shalt  }
0x66: {  	_ =	shalt  }
0x67: {  	_ =	shalt  }
0x68: {  	_ =	shalt  }
0x69: {  	_ =	shalt  }
0x6a: {  	_ =	shalt  }
0x6b: {  	_ =	shalt  }
0x6c: {  	_ =	shalt  }
0x6d: {  	_ =	shalt  }
0x6e: {  	_ =	shalt  }
0x6f: {  	_ =	shalt  }
0x70: {  	_ =	shalt  }
0x71: {  	_ =	shalt  }
0x72: {  	_ =	shalt  }
0x73: {  	_ =	shalt  }
0x74: {  	_ =	shalt  }
0x75: {  	_ =	shalt  }
0x76: {  	_ =	shalt  }
0x77: {  	_ =	shalt  }
0x78: {  	_ =	shalt  }
0x79: {  	_ =	shalt  }
0x7a: {  	_ =	shalt  }
0x7b: {  	_ =	shalt  }
0x7c: {  	_ =	shalt  }
0x7d: {  	_ =	shalt  }
0x7e: {  	_ =	shalt  }
0x7f: {  	_ =	shalt  }
0x80: {  	_ =	shalt  }
0x81: {  	_ =	shalt  }
0x82: {  	_ =	shalt  }
0x83: {  	_ =	shalt  }
0x84: {  	_ =	shalt  }
0x85: {  	_ =	shalt  }
0x86: {  	_ =	shalt  }
0x87: {  	_ =	shalt  }
.Lfunc_end0:
.L_simem_size_0:
called_computation_lowered:
.L_overlay_start_0:
0x88: {  	s0 =	sld [smem:$0x3FD9]  }
0x89: {  	s1 =	sld [smem:$0x3FFE];
	_ =	sdelay $0x3  }
0x8a: {  	s0 =	sadd.s32 s1, s0  }
0x8b: {  	[smem:$0x3FC5] =	sst s0  }
0x8c: {  	_ = 	snop  }
0x8d: {  	(tm) =	ssettm $0x1  }
0x8e: {  	s15 =	sld [smem:$0x3FFB];
	_ =	sdelay $0x3  }
0x8f: {  	_ =	strace s15  }
0x90: {  	s0 =	sld [smem:$0x3FFC];
	_ =	sdelay $0x3  }
0x91: {  	_ =	strace s0  }
0x92: {  	s0 =	sld [smem:$0x3FFD];
	_ =	sdelay $0x3  }
0x93: {  	_ =	strace s0  }
0x94: {  	_ =	strace $0x8FFFFFFF  }
0x95: {  	s16 =	sld [smem:$0x3FDB];
	_ =	sdelay $0x1  }
0x96: {  	s17 =	simm.s32 $_scs_section_size  }
0x97: {  	s2 =	simm.s32 $_size__tile_overlayer_lowered;
	s3 =	simm.s32 $_tile_overlayer_lowered  }
0x98: {  	s20 =	simm.s32 $0x1BFF;
	s19 =	sshll.u32 s3, $0x1;
	s0 =	sadd.s32 s17, s16  }
0x99: {  	s4 =	simm.s32 $0x0;
	s18 =	sshll.u32 s2, $0x1;
	s2 =	sadd.s32 s19, s0  }
0x9a: {  	[timem:s4], [sflag:s20] =	dma.local [hbm:s2], s18  }
0x9b: {  	_ =	swait.ge [sflag:s20], s18  }
0x9c: {  	s1 =	ssub.s32 $0x0, s18;
	[sflag:s20] =	ssyncset.done $0x0  }
0x9d: {  	[sflag:s20] =	ssyncadd.s32 s1;
	_ =	sdelay $0x1  }
0x9e: {  	s21 =	simm.s32 $0x1B8B  }
0x9f: {  	_ =	swait.ge [sflag:s21], $0x1  }
0xa0: {  	[sflag:s21] =	ssyncset.done $0x0  }
0xa1: {  	s23 =	simm.s32 $0x1B8E;
	s22 =	sld [smem:$0x3FFE];
	[sflag:s21] =	ssyncadd.s32 $0xFFFFFFFF  }
0xa2: {  	s24 =	simm.s32 $execute0_lowered;
	[smem:$0x3FD2] =	sst s23  }
0xa3: {  	s2 =	sshll.u32 s24, $0x1;
	_ =	strace $0x80000046;
	[dreg:$0x1] =	wrdreg $0xFFFFFFFF  }
0xa4: {  	s25 =	simm.s32 $_size_execute0_lowered;
	s0 =	sadd.s32 s0, s2;
	[dreg:$0x0] =	wrdreg $0x0  }
0xa5: {  	s2 =	sshll.u32 s25, $0x1;
	[dreg:$0x2] =	wrdreg s0  }
0xa6: {  	[dreg:$0x3] =	wrdreg s2  }
0xa7: {  	[dreg:$0x4] =	wrdreg $0xC0  }
0xa8: {  	_ =	task [dreg:s4], $0x5FFFF  }
0xa9: {  	[dreg:$0x1] =	wrdreg $0xFFFFFFFF  }
0xaa: {  	[dreg:$0x0] =	wrdreg $0x60  }
0xab: {  	[dreg:$0x2] =	wrdreg s22  }
0xac: {  	[dreg:$0x3] =	wrdreg $0x9  }
0xad: {  	_ =	task.clear_ibuf [dreg:s4], $0x4FFFF;
	_ =	strace $0x90000046  }
0xae: {  	s26 =	simm.s32 $0x9;
	_ =	strace $0x80000048  }
0xaf: {  	_ =	swait.ge [sflag:s26], $0x1  }
0xb0: {  	[sflag:s26] =	ssyncadd.s32 $0xFFFFFFFF  }
0xb1: {  	_ =	strace $0x90000048  }
0xb2: {  	_ =	sfence  }
0xb3: {  	s28 =	sld [smem:$0x0];
	_ =	sdelay $0x1  }
0xb4: {  	s29 =	srdreg.scid  }
0xb5: {  	s30 =	sshll.u32 s29, $0xD;
	s31 =	sshrl.u32 s29, $0x2  }
0xb6: {  	s1 =	sand.u32 $0x1, s29;
	s2 =	sand.u32 $0x4000, s30;
	s0 =	sadd.s32 s31, s28  }
0xb7: {  	s1 =	sor.u32 s2, s1;
	s0 =	sshll.u32 s0, $0x11  }
0xb8: {  	s0 =	sor.u32 s0, s1  }
0xb9: {  	s0 =	sadd.s32 $0x8F2B, s0  }
0xba: {  	[sflag:s0] =	ssyncadd.remote.s32 $0x1  }
0xbb: {  	_ =	sfence.sel $0xFFFF  }
0xbc: {  	[dreg:$0x0] =	wrdreg $0xFFFFFFFF;
	(pc) =	sbr.abs _section_cstart, $3  }
0xbd: {  	[dreg:$0x1] =	wrdreg $0xFFFFFFFF  }
0xbe: {  	_ =	task.clear_ibuf [dreg:s4], $0x2FFFF;
	_ =	strace $0x9FFFFFFF  }
0xbf: {  	(tm) =	ssettm $0x7FFFFFFF  }
tec
execute0_lowered:
.L_overlay_start_1:
0x0: {  	(tag) =	ssettag $0x1  }
0x1: {  	s3 =	rddreg [dreg:$0x0];
	s1 =	simm.s32 $0x0  }
0x2: {  	[smem:$0x7FF] =	sst s1  }
0x3: {  	s0 =	rddreg [dreg:$0x1];
	v0 =	vimm.f32 $1.000000010e-01;
	_ =	strace $0x80000047  }
0x4: {  	v35 =	vimm.f32 $2.000000030e-01;
	(erf) = vrcp.f32 v0  }
0x5: {  	(erf) = vrcp.f32 v35;
	_ =	sdelay $0x3  }
0x6: {  	s2 =	stileid.u32  }
0x7: {  	s5 =	sand.u32 $0x7, s2  }
0x8: {  	s4 =	sshll.u32 s5, $0x7  }
0x9: {  	s6 =	sshll.u32 s2, $0x6;
	s4 =	sadd.s32 s4, s3  }
0xa: {  	s25 =	simm.s32 $0x1;
	s6 =	sand.u32 $0x200, s6;
	s4 =	sadd.s32 $0x600, s4;
	v1 =	vpop (erf)  }
0xb: {  	[tilespmem:s1], [sflag:$0x1] =	stream.linear.gather [hbm4b:s4+s1], $0x280, $0x38;
	v0 =	vpop (erf);
	[tilespmem:$0x880] =	vst v63  }
0xc: {  	s28 =	simm.s32 $0x400;
	s7 =	sshrl.u32 s6, $0x3;
	_ =	swait.ge [sflag:s25], $0x280  }
0xd: {  	s5 =	sshll.u32 s5, $0xA;
	s7 =	sadd.s32 s7, s3;
	[sflag:s25] =	ssyncset.done $0x0  }
0xe: {  	s5 =	sor.u32 s6, s5;
	s26 =	sadd.s32 $0xE00, s7;
	[sflag:s25] =	ssyncadd.s32 $0xFFFFFD80  }
0xf: {  	[tilespmem:s28], [sflag:$0x1] =	stream.linear.gather [hbm4b:s26+s1], $0x200, $0x38;
	[tilespmem:$0x880] =	vst v63  }
0x10: {  	s5 =	sshrl.u32 s5, $0x3;
	_ =	swait.ge [sflag:s25], $0x200  }
0x11: {  	s5 =	sadd.s32 s5, s3;
	[sflag:s25] =	ssyncset.done $0x0  }
0x12: {  	s29 =	simm.s32 $0x600;
	s5 =	sadd.s32 $0xA00, s5;
	[sflag:s25] =	ssyncadd.s32 $0xFFFFFE00  }
0x13: {  	[tilespmem:s29], [sflag:$0x1] =	stream.linear.gather [hbm4b:s5+s1], $0x200, $0x38;
	[tilespmem:$0x880] =	vst v63  }
0x14: {  	_ =	swait.ge [sflag:s25], $0x200  }
0x15: {  	[sflag:s25] =	ssyncset.done $0x0  }
0x16: {  	[sflag:s25] =	ssyncadd.s32 $0xFFFFFE00  }
0x17: {  	v3 =	vld [tilespmem:$0x400]  }
0x18: {  	v2 =	vld [tilespmem:$0x480]  }
0x19: {  	v6 =	vld [tilespmem:$0x500]  }
0x1a: {  	v17 =	vld [tilespmem:$0x0]  }
0x1b: {  	v9 =	vld [tilespmem:$0x80]  }
0x1c: {  	v10 =	vld [tilespmem:$0x100]  }
0x1d: {  	v7 =	vld [tilespmem:$0x180]  }
0x1e: {  	v8 =	vld [tilespmem:$0x580]  }
0x1f: {  	v19 =	vld [tilespmem:$0x10]  }
0x20: {  	v24 =	vld [tilespmem:$0x20]  }
0x21: {  	v20 =	vld [tilespmem:$0x120];
	v5 =	vsub.f32 v6, v3;
	v11 =	vsub.f32 v10, v17  }
0x22: {  	v14 =	vld [tilespmem:$0x90];
	v12 =	vsub.f32 v7, v9;
	v13 =	vmin.f32 v6, v10;
	v15 =	vmax.f32 v3, v17  }
0x23: {  	v4 =	vsub.f32 v8, v2;
	v13 =	vsub.f32 v13, v15;
	v15 =	vld [tilespmem:$0x110]  }
0x24: {  	v16 =	vmin.f32 v8, v7;
	v18 =	vmax.f32 v2, v9;
	v11 =	vmul.f32 v12, v11;
	v12 =	vld [tilespmem:$0x190]  }
0x25: {  	v16 =	vsub.f32 v16, v18  }
0x26: {  	v27 =	vmax.f32 v3, v19;
	v40 =	vsub.f32 v20, v24;
	v26 =	vmul.f32 v4, v5  }
0x27: {  	v25 =	vld [tilespmem:$0x30];
	v30 =	vmin.f32 v6, v20;
	v13 =	vmax.f32 v13, $0.0e+00;
	v16 =	vmax.f32 v16, $0.0e+00  }
0x28: {  	v31 =	vmax.f32 v3, v24;
	v18 =	vld [tilespmem:$0x1A0];
	v13 =	vmul.f32 v16, v13;
	v11 =	vadd.f32 v11, v26  }
0x29: {  	v16 =	vld [tilespmem:$0xA0];
	v22 =	vsub.f32 v15, v19;
	v21 =	vmin.f32 v6, v15;
	v23 =	vsub.f32 v12, v14  }
0x2a: {  	v29 =	vmax.f32 v2, v14;
	v30 =	vsub.f32 v30, v31;
	v27 =	vsub.f32 v21, v27;
	v21 =	vld [tilespmem:$0xB0]  }
0x2b: {  	v11 =	vsub.f32 v11, v13;
	v28 =	vmin.f32 v8, v12;
	v36 =	vmul.f32 v23, v22;
	v23 =	vld [tilespmem:$0x130]  }
0x2c: {  	v33 =	vmax.f32 v3, v25;
	v30 =	vmax.f32 v30, $0.0e+00;
	v28 =	vsub.f32 v28, v29;
	v22 =	vld [tilespmem:$0x1B0]  }
0x2d: {  	v42 =	vmin.f32 v8, v18;
	v11 =	vmax.f32 v11, $9.999999930e-09;
	v37 =	vmax.f32 v27, $0.0e+00  }
0x2e: {  	v41 =	vsub.f32 v18, v16;
	v32 =	vmax.f32 v2, v16;
	v38 =	vmax.f32 v28, $0.0e+00  }
0x2f: {  	(erf) = vrcp.f32 v11;
	v43 =	vsub.f32 v42, v32;
	v11 =	vmul.f32 v38, v37  }
0x30: {  	v28 =	vmul.f32 v41, v40;
	v46 =	vmax.f32 v2, v21;
	v44 =	vsub.f32 v23, v25  }
0x31: {  	v45 =	vsub.f32 v22, v21;
	v6 =	vmin.f32 v6, v23;
	v8 =	vmin.f32 v8, v22  }
0x32: {  	v29 =	vmax.f32 v43, $0.0e+00;
	v6 =	vsub.f32 v6, v33;
	v8 =	vsub.f32 v8, v46  }
0x33: {  	v39 =	vadd.f32 v36, v26;
	v29 =	vmul.f32 v29, v30;
	v47 =	vmul.f32 v45, v44  }
0x34: {  	v28 =	vadd.f32 v28, v26;
	v6 =	vmax.f32 v6, $0.0e+00;
	v8 =	vmax.f32 v8, $0.0e+00  }
0x35: {  	v27 =	vsub.f32 v39, v11;
	v6 =	vmul.f32 v8, v6;
	v48 =	vadd.f32 v47, v26  }
0x36: {  	v50 =	vld [tilespmem:$0x200];
	v49 =	vsub.f32 v28, v29  }
0x37: {  	v51 =	vld [tilespmem:$0x210];
	v27 =	vmax.f32 v27, $9.999999930e-09;
	v8 =	vsub.f32 v48, v6  }
0x38: {  	v52 =	vld [tilespmem:$0x220];
	(erf) = vrcp.f32 v27;
	v26 =	vmax.f32 v49, $9.999999930e-09  }
0x39: {  	v55 =	vld [tilespmem:$0x230];
	(erf) = vrcp.f32 v26;
	v8 =	vmax.f32 v8, $9.999999930e-09  }
0x3a: {  	v60 =	vimm.s32 $0x76543210;
	(erf) = vrcp.f32 v8  }
0x3b: {  	v59 =	vimm.s32 $0xFEDCBA98;
	v61 =	vunpack.c.l.s4.s8 v60  }
0x3c: {  	vm0 =	vlt.f32 v50, $-1.000000000e+00;
	vm1 =	vgt.f32 v50, $-1.000000000e+00;
	vm13 =	vlt.f32 v51, $-1.000000000e+00  }
0x3d: {  	vm2 =	vgt.f32 v51, $-1.000000000e+00;
	vm15 =	vlt.f32 v52, $-1.000000000e+00;
	vm4 =	vgt.f32 v52, $-1.000000000e+00  }
0x3e: {  	vm5 =	vlt.f32 v55, $-1.000000000e+00;
	vm6 =	vgt.f32 v55, $-1.000000000e+00;
	v50 =	vimm.s32 $0x67452301  }
0x3f: {  	vm0 =	vmor vm1, vm0;
	vm14 =	vmor vm2, vm13;
	v41 =	vimm.s32 $0x32107654  }
0x40: {  	vm7 =	vmor vm6, vm5;
	v37 =	vunpack.c.0.s8.s32 v61;
	v42 =	vunpack.c.l.s4.s8 v41;
	v53 =	vpop (erf)  }
0x41: {  	v39 =	vimm.s32 $0xBA98FEDC;
	v13 =	vmul.f32 v53, v13;
	v26 =	vunpack.c.l.s4.s8 v59;
	v54 =	vpop (erf)  }
0x42: {  	v40 =	vunpack.c.l.s4.s8 v39;
	v44 =	vimm.s32 $0xDCFE98BA;
	v11 =	vmul.f32 v54, v11;
	v57 =	vpop (erf)  }
0x43: {  	v45 =	vimm.s32 $0x54761032;
	v27 =	vnsel vm0, $0xBF800000, v13;
	v62 =	vunpack.c.0.s8.s32 v26;
	v58 =	vpop (erf)  }
0x44: {  	v56 =	vnsel vm14, $0xBF800000, v11;
	v11 =	vmul.f32 v57, v29;
	v6 =	vmul.f32 v58, v6  }
0x45: {  	vm0 =	vmor vm4, vm15;
	v13 =	vunpack.c.0.s8.s32 v42;
	v36 =	vmax.f32 v27, v56  }
0x46: {  	v29 =	vnsel vm0, $0xBF800000, v11;
	v11 =	vand.u32 $0xF, v62;
	v63 =	vnsel vm7, $0xBF800000, v6  }
0x47: {  	v6 =	vcombine.low v11, v37;
	v11 =	vunpack.c.0.s8.s32 v40;
	v38 =	vmax.f32 v29, v63  }
0x48: {  	v31 =	vunpack.c.l.s4.s8 v44;
	v32 =	vunpack.c.l.s4.s8 v45;
	v8 =	vmax.f32 v36, v38  }
0x49: {  	v49 =	vimm.s32 $0xEFCDAB89;
	v46 =	vcombine.low v13, v11;
	v43 =	vperm.xlane v8, v6  }
0x4a: {  	v47 =	vunpack.c.0.s8.s32 v31;
	v31 =	vunpack.c.l.s4.s8 v49;
	v48 =	vunpack.c.0.s8.s32 v32  }
0x4b: {  	v32 =	vunpack.c.l.s4.s8 v50;
	v30 =	vmax.f32 v8, v43;
	v8 =	vand.u32 $0xF, v46  }
0x4c: {  	v11 =	vcombine.low v48, v47;
	v51 =	vperm.xlane v30, v8  }
0x4d: {  	v31 =	vunpack.c.0.s8.s32 v31;
	v32 =	vunpack.c.0.s8.s32 v32  }
0x4e: {  	v11 =	vand.u32 $0xF, v11;
	v13 =	vmax.f32 v30, v51  }
0x4f: {  	v31 =	vcombine.low v32, v31;
	v30 =	vperm.xlane v13, v11;
	_ =	sdelay $0x1  }
0x50: {  	v30 =	vmax.f32 v13, v30;
	v13 =	vand.u32 $0xF, v31  }
0x51: {  	v31 =	vperm.xlane v30, v13;
	_ =	sdelay $0x1  }
0x52: {  	v52 =	vlaneseq.u32;
	v30 =	vmax.f32 v30, v31  }
0x53: {  	v53 =	vor.u32 $0x30, v52;
	vm0 =	veq.f32 v63, v30  }
0x54: {  	v55 =	vor.u32 $0x20, v52;
	vm8 =	veq.f32 v29, v30;
	v54 =	vnsel vm0, $0x40, v53  }
0x55: {  	v57 =	vor.u32 $0x10, v52;
	vm9 =	veq.f32 v56, v30;
	v56 =	vsel vm8, v55, v54  }
0x56: {  	vm10 =	veq.f32 v27, v30;
	v58 =	vsel vm9, v57, v56  }
0x57: {  	v27 =	vsel vm10, v52, v58  }
0x58: {  	v59 =	vperm.xlane v27, v6;
	_ =	sdelay $0x1  }
0x59: {  	vm11 =	vlt.s32 v27, v59  }
0x5a: {  	v27 =	vsel vm11, v27, v59  }
0x5b: {  	v28 =	vperm.xlane v27, v8;
	_ =	sdelay $0x1  }
0x5c: {  	vm0 =	vlt.s32 v27, v28  }
0x5d: {  	v27 =	vsel vm0, v27, v28  }
0x5e: {  	v28 =	vperm.xlane v27, v11;
	_ =	sdelay $0x1  }
0x5f: {  	vm0 =	vlt.s32 v27, v28  }
0x60: {  	v27 =	vsel vm0, v27, v28  }
0x61: {  	v28 =	vperm.xlane v27, v13  }
0x62: {  	v17 =	vadd.f32 $0.0e+00, v17  }
0x63: {  	v9 =	vadd.f32 $0.0e+00, v9;
	v10 =	vadd.f32 $0.0e+00, v10;
	vm0 =	vlt.s32 v27, v28  }
0x64: {  	v7 =	vadd.f32 $0.0e+00, v7;
	(erf) = vrcp.f32 v5;
	v27 =	vsel vm0, v27, v28  }
0x65: {  	(erf) = vrcp.f32 v4;
	vm0 =	veq.s32 v27, v52;
	vm12 =	veq.s32 v27, v57  }
0x66: {  	vm13 =	veq.s32 v27, v55;
	vm3 =	veq.s32 v27, v53;
	v17 =	vnsel vm0, $0x0, v17  }
0x67: {  	v19 =	vnsel vm12, $0x0, v19;
	v60 =	vnsel vm13, $0x0, v24;
	v61 =	vnsel vm3, $0x0, v25  }
0x68: {  	v9 =	vnsel vm0, $0x0, v9;
	v14 =	vnsel vm12, $0x0, v14;
	v10 =	vnsel vm0, $0x0, v10  }
0x69: {  	v15 =	vnsel vm12, $0x0, v15;
	v62 =	vnsel vm13, $0x0, v20;
	v7 =	vnsel vm0, $0x0, v7  }
0x6a: {  	v12 =	vnsel vm12, $0x0, v12;
	v17 =	vadd.f32 v19, v17;
	v10 =	vadd.f32 v15, v10  }
0x6b: {  	v63 =	vnsel vm13, $0x0, v16;
	v9 =	vadd.f32 v14, v9;
	v7 =	vadd.f32 v12, v7  }
0x6c: {  	v20 =	vnsel vm13, $0x0, v18;
	v17 =	vadd.f32 v17, v60;
	v10 =	vadd.f32 v10, v62  }
0x6d: {  	v19 =	vnsel vm3, $0x0, v23;
	v9 =	vadd.f32 v9, v63;
	v7 =	vadd.f32 v7, v20  }
0x6e: {  	v21 =	vnsel vm3, $0x0, v21;
	v17 =	vadd.f32 v17, v61;
	v10 =	vadd.f32 v10, v19  }
0x6f: {  	v22 =	vnsel vm3, $0x0, v22;
	v9 =	vadd.f32 v9, v21  }
0x70: {  	v7 =	vadd.f32 v7, v22;
	v10 =	vsub.f32 v10, v17;
	_ =	sdelay $0x1  }
0x71: {  	v24 =	vpop (erf);
	v7 =	vsub.f32 v7, v9;
	v23 =	vmax.f32 v10, $1.000000000e+00  }
0x72: {  	v12 =	vmul.f32 v23, v24  }
0x73: {  	v26 =	vpop (erf);
	v25 =	vmax.f32 v7, $1.000000000e+00  }
0x74: {  	v15 =	vmul.f32 v25, v26;
	v27 =	vand.u32 $0x7FFFFF, v12  }
0x75: {  	v18 =	vor.u32 $0x3F800000, v27  }
0x76: {  	v29 =	vand.u32 $0x7FFFFF, v15;
	v28 =	vadd.f32 $1.000000000e+00, v18  }
0x77: {  	v20 =	vor.u32 $0x3F800000, v29  }
0x78: {  	v30 =	vadd.f32 $1.000000000e+00, v20;
	(erf) = vrcp.f32 v28;
	_ =	sdelay $0x1  }
0x79: {  	(erf) = vrcp.f32 v30;
	_ =	sdelay $0x5  }
0x7a: {  	v18 =	vadd.f32 $-1.000000000e+00, v18  }
0x7b: {  	v31 =	vpop (erf)  }
0x7c: {  	v32 =	vadd.f32 $-1.000000000e+00, v20;
	v18 =	vmul.f32 v31, v18  }
0x7d: {  	v33 =	vpop (erf)  }
0x7e: {  	v19 =	vmul.f32 v33, v32;
	v34 =	vmul.f32 v18, v18;
	_ =	sdelay $0x1  }
0x7f: {  	v36 =	vmul.f32 v19, v19;
	v35 =	vmul.f32 $1.111111120e-01, v34;
	_ =	sdelay $0x1  }
0x80: {  	v37 =	vmul.f32 $1.111111120e-01, v36;
	v20 =	vadd.f32 $1.428571490e-01, v35  }
0x81: {  	v5 =	vmul.f32 $5.000000000e-01, v5  }
0x82: {  	v4 =	vmul.f32 $5.000000000e-01, v4;
	v23 =	vadd.f32 $1.428571490e-01, v37;
	v20 =	vmul.f32 v20, v34  }
0x83: {  	v3 =	vadd.f32 v5, v3;
	v10 =	vmul.f32 $5.000000000e-01, v10;
	v7 =	vmul.f32 $5.000000000e-01, v7  }
0x84: {  	v2 =	vadd.f32 v4, v2;
	v39 =	vmul.f32 v23, v36;
	v38 =	vadd.f32 $2.000000030e-01, v20  }
0x85: {  	v10 =	vadd.f32 v10, v17;
	v7 =	vadd.f32 v7, v9;
	v43 =	vshrl.u32 v12, $0x17  }
0x86: {  	v44 =	vshrl.u32 v15, $0x17;
	v40 =	vadd.f32 $2.000000030e-01, v39;
	v5 =	vmul.f32 v38, v34  }
0x87: {  	v3 =	vsub.f32 v10, v3;
	v2 =	vsub.f32 v7, v2;
	v7 =	vand.u32 $0xFF, v43  }
0x88: {  	v9 =	vand.u32 $0xFF, v44;
	v42 =	vmul.f32 v40, v36;
	v41 =	vadd.f32 $3.333333430e-01, v5  }
0x89: {  	v7 =	vadd.s32 $0xFFFFFF81, v7;
	v9 =	vadd.s32 $0xFFFFFF81, v9;
	v3 =	vmul.f32 v3, v24  }
0x8a: {  	v2 =	vmul.f32 v2, v26;
	v5 =	vadd.f32 $3.333333430e-01, v42;
	v4 =	vmul.f32 v41, v34  }
0x8b: {  	v46 =	vld [tilespmem:$0x600];
	v7 =	vcvt.s32.f32 v7;
	v9 =	vcvt.s32.f32 v9  }
0x8c: {  	v48 =	vld [tilespmem:$0x680];
	v45 =	vadd.f32 v18, v18;
	v5 =	vmul.f32 v5, v36;
	v4 =	vadd.f32 $1.000000000e+00, v4  }
0x8d: {  	v3 =	vmul.f32 v3, v1;
	v7 =	vmul.f32 $6.931471820e-01, v7  }
0x8e: {  	v47 =	vadd.f32 v19, v19;
	v5 =	vadd.f32 $1.000000000e+00, v5;
	v4 =	vmul.f32 v4, v45  }
0x8f: {  	v49 =	vld [tilespmem:$0x700];
	v9 =	vmul.f32 $6.931471820e-01, v9;
	v1 =	vmul.f32 v2, v1  }
0x90: {  	v3 =	vsub.f32 v3, v46;
	v5 =	vmul.f32 v5, v47;
	v50 =	vadd.f32 v4, v7  }
0x91: {  	v52 =	vld [tilespmem:$0x780];
	v1 =	vsub.f32 v1, v48  }
0x92: {  	v3 =	vand.u32 $0x7FFFFFFF, v3;
	v51 =	vadd.f32 v5, v9;
	v2 =	vmul.f32 v50, v0  }
0x93: {  	v1 =	vand.u32 $0x7FFFFFFF, v1;
	v53 =	vmul.f32 $4.500000000e+00, v3  }
0x94: {  	v54 =	vmul.f32 $4.500000000e+00, v1;
	v0 =	vmul.f32 v51, v0;
	v2 =	vsub.f32 v2, v49  }
0x95: {  	v55 =	vadd.f32 $-5.555555600e-02, v3;
	v56 =	vadd.f32 $-5.555555600e-02, v1;
	v4 =	vmul.f32 v53, v3  }
0x96: {  	v7 =	vmul.f32 v54, v1;
	v0 =	vsub.f32 v0, v52;
	v2 =	vand.u32 $0x7FFFFFFF, v2  }
0x97: {  	vm4 =	vle.f32 v3, $1.111111120e-01;
	vm5 =	vle.f32 v1, $1.111111120e-01;
	v57 =	vmul.f32 $4.500000000e+00, v2  }
0x98: {  	v3 =	vsel vm4, v4, v55;
	v58 =	vsel vm5, v7, v56;
	v0 =	vand.u32 $0x7FFFFFFF, v0  }
0x99: {  	v59 =	vadd.f32 $-5.555555600e-02, v2;
	v60 =	vmul.f32 $4.500000000e+00, v0;
	v1 =	vmul.f32 v57, v2  }
0x9a: {  	v3 =	vadd.f32 v58, v3;
	vm14 =	vle.f32 v2, $1.111111120e-01  }
0x9b: {  	v62 =	vadd.f32 $-5.555555600e-02, v0;
	v61 =	vmul.f32 v60, v0;
	v1 =	vsel vm14, v1, v59  }
0x9c: {  	vm15 =	vle.f32 v0, $1.111111120e-01;
	v1 =	vadd.f32 v1, v3  }
0x9d: {  	vm2 =	vmor vm13, vm3;
	v0 =	vsel vm15, v61, v62  }
0x9e: {  	vm1 =	vmor vm12, vm2;
	v0 =	vadd.f32 v1, v0  }
0x9f: {  	vm0 =	vmor vm0, vm1  }
0xa0: {  	v0 =	vnsel vm0, $0x0, v0  }
0xa1: {  	v63 =	vperm.xlane v0, v6;
	_ =	sdelay $0x1  }
0xa2: {  	v0 =	vadd.f32 v0, v63;
	_ =	sdelay $0x1  }
0xa3: {  	v1 =	vperm.xlane v0, v8;
	_ =	sdelay $0x1  }
0xa4: {  	v0 =	vadd.f32 v0, v1;
	_ =	sdelay $0x1  }
0xa5: {  	v1 =	vperm.xlane v0, v11;
	_ =	sdelay $0x1  }
0xa6: {  	v0 =	vadd.f32 v0, v1;
	_ =	sdelay $0x1  }
0xa7: {  	v1 =	vperm.xlane v0, v13;
	_ =	sdelay $0x1  }
0xa8: {  	s30 =	sshll.u32 s2, $0x4;
	v0 =	vadd.f32 v0, v1  }
0xa9: {  	s3 =	sadd.s32 s30, s3  }
0xaa: {  	s31 =	simm.s32 $0x800;
	s3 =	sadd.s32 $0x1000, s3;
	[tilespmem:$0x800] =	vst v0  }
0xab: {  	[hbm4b:s3+s1] =	stream.linear.scatter [tilespmem:s31], [sflag:$0x1], $0x80, $0x38;
	[tilespmem:$0x880] =	vst v63  }
0xac: {  	_ =	swait.ge [sflag:s25], $0x80  }
0xad: {  	[sflag:s25] =	ssyncset.done $0x0  }
0xae: {  	[sflag:s25] =	ssyncadd.s32 $0xFFFFFF80  }
0xaf: {  	_ =	sfence.sel $0x180000  }
0xb0: {  	[bflag:$0x0] =	sbarrier.arrive $0xFFFF  }
0xb1: {  	p0 =	sne.s32 s2, $0x0;
	_ =	strace $0x90000047  }
0xb2: {  	s0 =	sadd.s32 @!p0 $0x100000, s0;
	[bflag:$0x2] =	sbarrier.arrive $0xFFFF  }
0xb3: {  	[sflag:s0] =	ssyncadd.tile.s32 @!p0 $0x1;
	_ =	shalt  }
.Lfunc_end2:
_tile_overlayer_lowered:
.L_overlay_start_2:
0xb4: {  	(tag) =	ssettag $0x2  }
0xb5: {  	s0 =	rddreg [dreg:$0x0];
	s2 =	stileid.u32  }
0xb6: {  	s1 =	rddreg [dreg:$0x1];
	p0 =	sne.s32 s2, $0x0  }
0xb7: {  	s3 =	rddreg [dreg:$0x2];
	[bflag:$0x3] =	sbarrier.arrive $0xFFFF;
	s2 =	simm.s32 @!p0 $0x1C01  }
0xb8: {  	[timem:s3], [sflag:s2] =	dma.local @!p0 [hbm:s0], s1  }
0xb9: {  	s0 =	simm.s32 @!p0 $0x1  }
0xba: {  	_ =	swait.ge @!p0 [sflag:s0], s1  }
0xbb: {  	s1 =	ssub.s32 @!p0 $0x0, s1;
	[sflag:s0] =	ssyncset.done @!p0 $0x0  }
0xbc: {  	[sflag:s0] =	ssyncadd.s32 @!p0 s1  }
0xbd: {  	[bflag:$0x3] =	sbarrier.arrive $0xFFFF  }
0xbe: {  	_ =	shalt  }

</sc_bundles>
